<compile_context>
chip_gen: v7x
topology: tpu7x:2x2x1
jax: 0.10.2.dev20260603
libtpu: 0.0.44.dev20260713+nightly
codegen_flags: <defaults>
</compile_context>

<pallas_src>
import jax
import jax.numpy as jnp
from jax import lax
from jax.experimental import pallas as pl
from jax.experimental.pallas import tpu as pltpu
from jax.experimental.pallas import tpu_sc as plsc

IN_FEATURES = 4096
FEATURES = 128

NC = 2
NS = 16
LANES = 16
NW = NC * NS

CHUNK = 2048
ROWS_PER_CHUNK = CHUNK // FEATURES
GROUPS = FEATURES // LANES
NBUF = 3
UNROLL_ROWS = 2


def _sc_body(x_hbm, rows_hbm, cols_hbm, w_hbm, out_hbm,
             x_v, i0_v, i1_v, i2_v, w0_v, w1_v, w2_v, acc_v,
             sem0, sem1, sem2):
    cid = lax.axis_index("c")
    sid = lax.axis_index("s")
    wid = sid * NC + cid

    pltpu.sync_copy(x_hbm, x_v)

    nchunks_total = rows_hbm.shape[0] // CHUNK
    per = (-(-nchunks_total // NW) + NBUF - 1) // NBUF * NBUF
    start_chunk = wid * per
    n = jnp.clip(nchunks_total - start_chunk, 0, per)

    sems = (sem0, sem1, sem2)
    ibufs = (i0_v, i1_v, i2_v)
    wbufs = (w0_v, w1_v, w2_v)

    def start_fetch(b, c):
        base = (start_chunk + c) * CHUNK
        pltpu.async_copy(rows_hbm.at[pl.ds(base, CHUNK)],
                         ibufs[b].at[pl.ds(0, CHUNK)], sems[b])
        pltpu.async_copy(cols_hbm.at[pl.ds(base, CHUNK)],
                         ibufs[b].at[pl.ds(CHUNK, CHUNK)], sems[b])
        pltpu.async_copy(w_hbm.at[pl.ds(base, CHUNK)], wbufs[b], sems[b])

    def wait_fetch(b):
        pltpu.make_async_copy(rows_hbm.at[pl.ds(0, CHUNK)],
                              ibufs[b].at[pl.ds(0, CHUNK)], sems[b]).wait()
        pltpu.make_async_copy(rows_hbm.at[pl.ds(0, CHUNK)],
                              ibufs[b].at[pl.ds(CHUNK, CHUNK)], sems[b]).wait()
        pltpu.make_async_copy(w_hbm.at[pl.ds(0, CHUNK)],
                              wbufs[b], sems[b]).wait()

    def compute(b, acc):
        ibuf, wbuf = ibufs[b], wbufs[b]

        def rows_body(k, acc):
            accl = list(acc)
            for g in range(GROUPS):
                off = k * FEATURES + g * LANES
                ir = ibuf[pl.ds(off, LANES)]
                ic = ibuf[pl.ds(CHUNK + off, LANES)]
                xr = plsc.load_gather(x_v, [ir])
                xc = plsc.load_gather(x_v, [ic])
                w = wbuf[pl.ds(off, LANES)]
                accl[g] = accl[g] + xr * xc * w
            return tuple(accl)

        return plsc.parallel_loop(
            0, ROWS_PER_CHUNK, 1, unroll=UNROLL_ROWS, carry=acc)(rows_body)

    for b in range(NBUF):
        start_fetch(b, b)

    zero = jnp.zeros((LANES,), jnp.float32)
    acc0 = (zero,) * GROUPS

    def ring_body(k, acc):
        for b in range(NBUF):
            c = NBUF * k + b
            wait_fetch(b)
            acc = compute(b, acc)

            @pl.when(c + NBUF < n)
            def _():
                start_fetch(b, c + NBUF)

        return acc

    acc = lax.fori_loop(0, n // NBUF, ring_body, acc0)

    for g in range(GROUPS):
        acc_v[pl.ds(g * LANES, LANES)] = acc[g]
    pltpu.sync_copy(acc_v, out_hbm.at[wid])


def kernel(x, rows, cols, weights):
    wflat = weights.reshape(-1)
    mesh = plsc.VectorSubcoreMesh(core_axis_name="c", subcore_axis_name="s")
    kfn = pl.kernel(
        _sc_body,
        out_type=jax.ShapeDtypeStruct((NW, FEATURES), jnp.float32),
        mesh=mesh,
        compiler_params=pltpu.CompilerParams(needs_layout_passes=False),
        scratch_types=[
            pltpu.VMEM((IN_FEATURES,), jnp.float32),
            pltpu.VMEM((2 * CHUNK,), jnp.int32),
            pltpu.VMEM((2 * CHUNK,), jnp.int32),
            pltpu.VMEM((2 * CHUNK,), jnp.int32),
            pltpu.VMEM((CHUNK,), jnp.float32),
            pltpu.VMEM((CHUNK,), jnp.float32),
            pltpu.VMEM((CHUNK,), jnp.float32),
            pltpu.VMEM((FEATURES,), jnp.float32),
            pltpu.SemaphoreType.DMA,
            pltpu.SemaphoreType.DMA,
            pltpu.SemaphoreType.DMA,
        ],
    )
    partial = kfn(x, rows, cols, wflat)
    return partial.sum(axis=0)

# --- scband reference (transcript-rebuilt; emitter-appended) ---
"""Pipeline reference for scband-pairwise-linear-54176717472141 (READ-ONLY COPY).

The authoritative reference and input builder live on the scoring server;
editing this copy changes nothing except your own understanding.
"""

import jax, jax.numpy as jnp
import numpy as np

IN_FEATURES = 4096
FEATURES = 128

def _make_pair_indices():
    l = IN_FEATURES * (IN_FEATURES - 1) // 2
    l = l - l % FEATURES
    rows_np, cols_np = np.tril_indices(IN_FEATURES, k=-1)
    rows = jnp.asarray(rows_np, dtype=jnp.int32)
    cols = jnp.asarray(cols_np, dtype=jnp.int32)
    r = jnp.arange(0, rows.shape[0])
    if r.shape[0] < l:
        r = jnp.repeat(r, l // r.shape[0] + 1, total_repeat_length=l)
    r = jax.random.permutation(jax.random.PRNGKey(1234), r)
    rows = rows[r][:l]
    cols = cols[r][:l]
    return rows, cols, l

def setup_inputs(seed: int = 0) -> dict:
    key = jax.random.key(seed)
    rows, cols, l = _make_pair_indices()
    x = jax.random.normal(jax.random.fold_in(key, 0), (IN_FEATURES,), dtype=jnp.float32)
    weights = jax.random.normal(jax.random.fold_in(key, 1), (l // FEATURES, FEATURES), dtype=jnp.float32) * 0.02
    return {"x": x, "rows": rows, "cols": cols, "weights": weights}

def reference(x, rows, cols, weights):
    # z = x[rows] * x[cols]  -> two large gathers + elementwise product
    z = x[rows] * x[cols]
    z = z.reshape(-1, FEATURES)
    z = z * weights
    # segment-style reduce over the pair axis
    return jnp.sum(z, axis=0)

if __name__ == "__main__":
    import jax
    _d = setup_inputs()
    print(jax.jit(kernel)(*tuple(_d.values())))

</pallas_src>

<mosaic_0001>
#map = affine_map<(d0, d1) -> (0)>
#map1 = affine_map<(d0, d1) -> (0, 0)>
module attributes {stable_mosaic.version = 14 : i64} {
  func.func @_sc_body(%arg0: i32, %arg1: i32, %arg2: memref<4096xf32, #tpu.memory_space<hbm>>, %arg3: memref<8386560xi32, #tpu.memory_space<hbm>>, %arg4: memref<8386560xi32, #tpu.memory_space<hbm>>, %arg5: memref<8386560xf32, #tpu.memory_space<hbm>>, %arg6: memref<32x128xf32, #tpu.memory_space<hbm>>, %arg7: memref<4096xf32, #tpu.memory_space<vmem>>, %arg8: memref<4096xi32, #tpu.memory_space<vmem>>, %arg9: memref<4096xi32, #tpu.memory_space<vmem>>, %arg10: memref<4096xi32, #tpu.memory_space<vmem>>, %arg11: memref<2048xf32, #tpu.memory_space<vmem>>, %arg12: memref<2048xf32, #tpu.memory_space<vmem>>, %arg13: memref<2048xf32, #tpu.memory_space<vmem>>, %arg14: memref<128xf32, #tpu.memory_space<vmem>>, %arg15: memref<!tpu.dma_semaphore, #tpu.memory_space<semaphore_mem>>, %arg16: memref<!tpu.dma_semaphore, #tpu.memory_space<semaphore_mem>>, %arg17: memref<!tpu.dma_semaphore, #tpu.memory_space<semaphore_mem>>) attributes {dimension_semantics = [#tpu.dimension_semantics<core_parallel>, #tpu.dimension_semantics<subcore_parallel>], iteration_bounds = array<i64: 2, 16>, scalar_prefetch = 0 : i64, scratch_operands = 11 : i64, tpu.core_type = #tpu.core_type<sc_vector_subcore>, window_params = [{transform_indices = #map}, {transform_indices = #map}, {transform_indices = #map}, {transform_indices = #map}, {transform_indices = #map1}]} {
    %mul3A = arith.constant 2 : i32
    %mul3A_0 = arith.muli %arg1, %mul3A : i32
    %add3A = arith.addi %mul3A_0, %arg0 : i32
    "tpu.region"() ({
      %run_scoped3A = tpu.sem_alloc : memref<!tpu.dma_semaphore, #tpu.memory_space<semaphore_mem>>
      tpu.enqueue_dma source(%arg2 : memref<4096xf32, #tpu.memory_space<hbm>>) target(%arg7 : memref<4096xf32, #tpu.memory_space<vmem>>) target_semaphore(%run_scoped3A : memref<!tpu.dma_semaphore, #tpu.memory_space<semaphore_mem>>)
      tpu.wait_dma2 semaphore(%run_scoped3A : memref<!tpu.dma_semaphore, #tpu.memory_space<semaphore_mem>>) src(%arg2 : memref<4096xf32, #tpu.memory_space<hbm>>) dst(%arg7 : memref<4096xf32, #tpu.memory_space<vmem>>)
      tpu.yield
    }) : () -> ()
    %mul3A_1 = arith.constant 129 : i32
    %mul3A_2 = arith.muli %add3A, %mul3A_1 : i32
    %sub3A = arith.constant 4095 : i32
    %sub3A_3 = arith.subi %sub3A, %mul3A_2 : i32
    %jit3A = arith.constant 0 : i32
    %jit3A_4 = arith.constant 129 : i32
    %max3A = arith.maxsi %jit3A, %sub3A_3 : i32
    %min3A = arith.minsi %jit3A_4, %max3A : i32
    %add3A_5 = arith.constant 0 : i32
    %add3A_6 = arith.addi %mul3A_2, %add3A_5 : i32
    %mul3A_7 = arith.constant 2048 : i32
    %mul3A_8 = arith.muli %add3A_6, %mul3A_7 : i32
    %dma_start3A = arith.constant 0 : i32
    %dma_start3A_9 = tpu.memref_slice %arg8[%dma_start3A] : memref<4096xi32, #tpu.memory_space<vmem>> -> memref<2048xi32, #tpu.memory_space<vmem>>
    %dma_start3A_10 = tpu.memref_slice %arg3[%mul3A_8] : memref<8386560xi32, #tpu.memory_space<hbm>> -> memref<2048xi32, #tpu.memory_space<hbm>>
    %dma_start3A_11 = arith.constant 0 : i32
    %dma_start3A_12 = tpu.memref_slice %arg8[%dma_start3A_11] : memref<4096xi32, #tpu.memory_space<vmem>> -> memref<2048xi32, #tpu.memory_space<vmem>>
    %dma_start3A_13 = tpu.memref_slice %arg3[%mul3A_8] : memref<8386560xi32, #tpu.memory_space<hbm>> -> memref<2048xi32, #tpu.memory_space<hbm>>
    tpu.enqueue_dma source(%dma_start3A_13 : memref<2048xi32, #tpu.memory_space<hbm>>) target(%dma_start3A_12 : memref<2048xi32, #tpu.memory_space<vmem>>) target_semaphore(%arg15 : memref<!tpu.dma_semaphore, #tpu.memory_space<semaphore_mem>>)
    %dma_start3A_14 = arith.constant 2048 : i32
    %dma_start3A_15 = tpu.memref_slice %arg8[%dma_start3A_14] : memref<4096xi32, #tpu.memory_space<vmem>> -> memref<2048xi32, #tpu.memory_space<vmem>>
    %dma_start3A_16 = tpu.memref_slice %arg4[%mul3A_8] : memref<8386560xi32, #tpu.memory_space<hbm>> -> memref<2048xi32, #tpu.memory_space<hbm>>
    %dma_start3A_17 = arith.constant 2048 : i32
    %dma_start3A_18 = tpu.memref_slice %arg8[%dma_start3A_17] : memref<4096xi32, #tpu.memory_space<vmem>> -> memref<2048xi32, #tpu.memory_space<vmem>>
    %dma_start3A_19 = tpu.memref_slice %arg4[%mul3A_8] : memref<8386560xi32, #tpu.memory_space<hbm>> -> memref<2048xi32, #tpu.memory_space<hbm>>
    tpu.enqueue_dma source(%dma_start3A_19 : memref<2048xi32, #tpu.memory_space<hbm>>) target(%dma_start3A_18 : memref<2048xi32, #tpu.memory_space<vmem>>) target_semaphore(%arg15 : memref<!tpu.dma_semaphore, #tpu.memory_space<semaphore_mem>>)
    %dma_start3A_20 = tpu.memref_slice %arg5[%mul3A_8] : memref<8386560xf32, #tpu.memory_space<hbm>> -> memref<2048xf32, #tpu.memory_space<hbm>>
    %dma_start3A_21 = tpu.memref_slice %arg5[%mul3A_8] : memref<8386560xf32, #tpu.memory_space<hbm>> -> memref<2048xf32, #tpu.memory_space<hbm>>
    tpu.enqueue_dma source(%dma_start3A_21 : memref<2048xf32, #tpu.memory_space<hbm>>) target(%arg11 : memref<2048xf32, #tpu.memory_space<vmem>>) target_semaphore(%arg15 : memref<!tpu.dma_semaphore, #tpu.memory_space<semaphore_mem>>)
    %add3A_22 = arith.constant 1 : i32
    %add3A_23 = arith.addi %mul3A_2, %add3A_22 : i32
    %mul3A_24 = arith.constant 2048 : i32
    %mul3A_25 = arith.muli %add3A_23, %mul3A_24 : i32
    %dma_start3A_26 = arith.constant 0 : i32
    %dma_start3A_27 = tpu.memref_slice %arg9[%dma_start3A_26] : memref<4096xi32, #tpu.memory_space<vmem>> -> memref<2048xi32, #tpu.memory_space<vmem>>
    %dma_start3A_28 = tpu.memref_slice %arg3[%mul3A_25] : memref<8386560xi32, #tpu.memory_space<hbm>> -> memref<2048xi32, #tpu.memory_space<hbm>>
    %dma_start3A_29 = arith.constant 0 : i32
    %dma_start3A_30 = tpu.memref_slice %arg9[%dma_start3A_29] : memref<4096xi32, #tpu.memory_space<vmem>> -> memref<2048xi32, #tpu.memory_space<vmem>>
    %dma_start3A_31 = tpu.memref_slice %arg3[%mul3A_25] : memref<8386560xi32, #tpu.memory_space<hbm>> -> memref<2048xi32, #tpu.memory_space<hbm>>
    tpu.enqueue_dma source(%dma_start3A_31 : memref<2048xi32, #tpu.memory_space<hbm>>) target(%dma_start3A_30 : memref<2048xi32, #tpu.memory_space<vmem>>) target_semaphore(%arg16 : memref<!tpu.dma_semaphore, #tpu.memory_space<semaphore_mem>>)
    %dma_start3A_32 = arith.constant 2048 : i32
    %dma_start3A_33 = tpu.memref_slice %arg9[%dma_start3A_32] : memref<4096xi32, #tpu.memory_space<vmem>> -> memref<2048xi32, #tpu.memory_space<vmem>>
    %dma_start3A_34 = tpu.memref_slice %arg4[%mul3A_25] : memref<8386560xi32, #tpu.memory_space<hbm>> -> memref<2048xi32, #tpu.memory_space<hbm>>
    %dma_start3A_35 = arith.constant 2048 : i32
    %dma_start3A_36 = tpu.memref_slice %arg9[%dma_start3A_35] : memref<4096xi32, #tpu.memory_space<vmem>> -> memref<2048xi32, #tpu.memory_space<vmem>>
    %dma_start3A_37 = tpu.memref_slice %arg4[%mul3A_25] : memref<8386560xi32, #tpu.memory_space<hbm>> -> memref<2048xi32, #tpu.memory_space<hbm>>
    tpu.enqueue_dma source(%dma_start3A_37 : memref<2048xi32, #tpu.memory_space<hbm>>) target(%dma_start3A_36 : memref<2048xi32, #tpu.memory_space<vmem>>) target_semaphore(%arg16 : memref<!tpu.dma_semaphore, #tpu.memory_space<semaphore_mem>>)
    %dma_start3A_38 = tpu.memref_slice %arg5[%mul3A_25] : memref<8386560xf32, #tpu.memory_space<hbm>> -> memref<2048xf32, #tpu.memory_space<hbm>>
    %dma_start3A_39 = tpu.memref_slice %arg5[%mul3A_25] : memref<8386560xf32, #tpu.memory_space<hbm>> -> memref<2048xf32, #tpu.memory_space<hbm>>
    tpu.enqueue_dma source(%dma_start3A_39 : memref<2048xf32, #tpu.memory_space<hbm>>) target(%arg12 : memref<2048xf32, #tpu.memory_space<vmem>>) target_semaphore(%arg16 : memref<!tpu.dma_semaphore, #tpu.memory_space<semaphore_mem>>)
    %add3A_40 = arith.constant 2 : i32
    %add3A_41 = arith.addi %mul3A_2, %add3A_40 : i32
    %mul3A_42 = arith.constant 2048 : i32
    %mul3A_43 = arith.muli %add3A_41, %mul3A_42 : i32
    %dma_start3A_44 = arith.constant 0 : i32
    %dma_start3A_45 = tpu.memref_slice %arg10[%dma_start3A_44] : memref<4096xi32, #tpu.memory_space<vmem>> -> memref<2048xi32, #tpu.memory_space<vmem>>
    %dma_start3A_46 = tpu.memref_slice %arg3[%mul3A_43] : memref<8386560xi32, #tpu.memory_space<hbm>> -> memref<2048xi32, #tpu.memory_space<hbm>>
    %dma_start3A_47 = arith.constant 0 : i32
    %dma_start3A_48 = tpu.memref_slice %arg10[%dma_start3A_47] : memref<4096xi32, #tpu.memory_space<vmem>> -> memref<2048xi32, #tpu.memory_space<vmem>>
    %dma_start3A_49 = tpu.memref_slice %arg3[%mul3A_43] : memref<8386560xi32, #tpu.memory_space<hbm>> -> memref<2048xi32, #tpu.memory_space<hbm>>
    tpu.enqueue_dma source(%dma_start3A_49 : memref<2048xi32, #tpu.memory_space<hbm>>) target(%dma_start3A_48 : memref<2048xi32, #tpu.memory_space<vmem>>) target_semaphore(%arg17 : memref<!tpu.dma_semaphore, #tpu.memory_space<semaphore_mem>>)
    %dma_start3A_50 = arith.constant 2048 : i32
    %dma_start3A_51 = tpu.memref_slice %arg10[%dma_start3A_50] : memref<4096xi32, #tpu.memory_space<vmem>> -> memref<2048xi32, #tpu.memory_space<vmem>>
    %dma_start3A_52 = tpu.memref_slice %arg4[%mul3A_43] : memref<8386560xi32, #tpu.memory_space<hbm>> -> memref<2048xi32, #tpu.memory_space<hbm>>
    %dma_start3A_53 = arith.constant 2048 : i32
    %dma_start3A_54 = tpu.memref_slice %arg10[%dma_start3A_53] : memref<4096xi32, #tpu.memory_space<vmem>> -> memref<2048xi32, #tpu.memory_space<vmem>>
    %dma_start3A_55 = tpu.memref_slice %arg4[%mul3A_43] : memref<8386560xi32, #tpu.memory_space<hbm>> -> memref<2048xi32, #tpu.memory_space<hbm>>
    tpu.enqueue_dma source(%dma_start3A_55 : memref<2048xi32, #tpu.memory_space<hbm>>) target(%dma_start3A_54 : memref<2048xi32, #tpu.memory_space<vmem>>) target_semaphore(%arg17 : memref<!tpu.dma_semaphore, #tpu.memory_space<semaphore_mem>>)
    %dma_start3A_56 = tpu.memref_slice %arg5[%mul3A_43] : memref<8386560xf32, #tpu.memory_space<hbm>> -> memref<2048xf32, #tpu.memory_space<hbm>>
    %dma_start3A_57 = tpu.memref_slice %arg5[%mul3A_43] : memref<8386560xf32, #tpu.memory_space<hbm>> -> memref<2048xf32, #tpu.memory_space<hbm>>
    tpu.enqueue_dma source(%dma_start3A_57 : memref<2048xf32, #tpu.memory_space<hbm>>) target(%arg13 : memref<2048xf32, #tpu.memory_space<vmem>>) target_semaphore(%arg17 : memref<!tpu.dma_semaphore, #tpu.memory_space<semaphore_mem>>)
    %broadcast_in_dim3A = arith.constant 0.000000e+00 : f32
    %broadcast_in_dim3A_58 = vector.broadcast %broadcast_in_dim3A : f32 to vector<16xf32>
    %jit3A_59 = arith.constant 3 : i32
    %div3A = arith.divsi %min3A, %jit3A_59 : i32
    %sign3A = arith.constant 0 : i32
    %sign3A_60 = arith.cmpi sgt, %min3A, %sign3A : i32
    %sign3A_61 = arith.extui %sign3A_60 : i1 to i32
    %sign3A_62 = arith.constant 0 : i32
    %sign3A_63 = arith.cmpi slt, %min3A, %sign3A_62 : i32
    %sign3A_64 = arith.extui %sign3A_63 : i1 to i32
    %sign3A_65 = arith.subi %sign3A_61, %sign3A_64 : i32
    %sign3A_66 = arith.constant 0 : i32
    %sign3A_67 = arith.cmpi sgt, %jit3A_59, %sign3A_66 : i32
    %sign3A_68 = arith.extui %sign3A_67 : i1 to i32
    %sign3A_69 = arith.constant 0 : i32
    %sign3A_70 = arith.cmpi slt, %jit3A_59, %sign3A_69 : i32
    %sign3A_71 = arith.extui %sign3A_70 : i1 to i32
    %sign3A_72 = arith.subi %sign3A_68, %sign3A_71 : i32
    %ne3A = arith.cmpi ne, %sign3A_65, %sign3A_72 : i32
    %rem3A = arith.remsi %min3A, %jit3A_59 : i32
    %ne3A_73 = arith.constant 0 : i32
    %ne3A_74 = arith.cmpi ne, %rem3A, %ne3A_73 : i32
    %and3A = arith.andi %ne3A, %ne3A_74 : i1
    %sub3A_75 = arith.constant 1 : i32
    %sub3A_76 = arith.subi %div3A, %sub3A_75 : i32
    %select_n3A = arith.select %and3A, %sub3A_76, %div3A : i32
    %while3A = arith.constant 0 : i32
    %while3A_77 = arith.subi %select_n3A, %while3A : i32
    %while3A_78 = arith.addi %while3A, %while3A_77 : i32
    %while3A_79 = arith.constant 1 : i32
    %while3A_80 = arith.divsi %while3A_77, %while3A_79 : i32
    %while3A_81 = arith.muli %while3A_80, %while3A_79 : i32
    %while3A_82 = arith.addi %while3A, %while3A_81 : i32
    %while3A_83 = arith.constant 1 : i32
    %while3A_84:8 = scf.for %while3A_102 = %while3A to %while3A_82 step %while3A_83 iter_args(%while3A_103 = %broadcast_in_dim3A_58, %while3A_104 = %broadcast_in_dim3A_58, %while3A_105 = %broadcast_in_dim3A_58, %while3A_106 = %broadcast_in_dim3A_58, %while3A_107 = %broadcast_in_dim3A_58, %while3A_108 = %broadcast_in_dim3A_58, %while3A_109 = %broadcast_in_dim3A_58, %while3A_110 = %broadcast_in_dim3A_58) -> (vector<16xf32>, vector<16xf32>, vector<16xf32>, vector<16xf32>, vector<16xf32>, vector<16xf32>, vector<16xf32>, vector<16xf32>)  : i32 {
      %mul3A_111 = arith.constant 3 : i32
      %mul3A_112 = arith.muli %mul3A_111, %while3A_102 : i32
      %add3A_113 = arith.constant 0 : i32
      %add3A_114 = arith.addi %mul3A_112, %add3A_113 : i32
      %dma_wait3A = arith.constant 0 : i32
      %dma_wait3A_115 = tpu.memref_slice %arg8[%dma_wait3A] : memref<4096xi32, #tpu.memory_space<vmem>> -> memref<2048xi32, #tpu.memory_space<vmem>>
      %dma_wait3A_116 = arith.constant 0 : i32
      %dma_wait3A_117 = tpu.memref_slice %arg3[%dma_wait3A_116] : memref<8386560xi32, #tpu.memory_space<hbm>> -> memref<2048xi32, #tpu.memory_space<hbm>>
      %dma_wait3A_118 = arith.constant 0 : i32
      %dma_wait3A_119 = tpu.memref_slice %arg8[%dma_wait3A_118] : memref<4096xi32, #tpu.memory_space<vmem>> -> memref<2048xi32, #tpu.memory_space<vmem>>
      %dma_wait3A_120 = arith.constant 0 : i32
      %dma_wait3A_121 = tpu.memref_slice %arg3[%dma_wait3A_120] : memref<8386560xi32, #tpu.memory_space<hbm>> -> memref<2048xi32, #tpu.memory_space<hbm>>
      tpu.wait_dma2 semaphore(%arg15 : memref<!tpu.dma_semaphore, #tpu.memory_space<semaphore_mem>>) src(%dma_wait3A_121 : memref<2048xi32, #tpu.memory_space<hbm>>) dst(%dma_wait3A_119 : memref<2048xi32, #tpu.memory_space<vmem>>)
      %dma_wait3A_122 = arith.constant 2048 : i32
      %dma_wait3A_123 = tpu.memref_slice %arg8[%dma_wait3A_122] : memref<4096xi32, #tpu.memory_space<vmem>> -> memref<2048xi32, #tpu.memory_space<vmem>>
      %dma_wait3A_124 = arith.constant 0 : i32
      %dma_wait3A_125 = tpu.memref_slice %arg3[%dma_wait3A_124] : memref<8386560xi32, #tpu.memory_space<hbm>> -> memref<2048xi32, #tpu.memory_space<hbm>>
      %dma_wait3A_126 = arith.constant 2048 : i32
      %dma_wait3A_127 = tpu.memref_slice %arg8[%dma_wait3A_126] : memref<4096xi32, #tpu.memory_space<vmem>> -> memref<2048xi32, #tpu.memory_space<vmem>>
      %dma_wait3A_128 = arith.constant 0 : i32
      %dma_wait3A_129 = tpu.memref_slice %arg3[%dma_wait3A_128] : memref<8386560xi32, #tpu.memory_space<hbm>> -> memref<2048xi32, #tpu.memory_space<hbm>>
      tpu.wait_dma2 semaphore(%arg15 : memref<!tpu.dma_semaphore, #tpu.memory_space<semaphore_mem>>) src(%dma_wait3A_129 : memref<2048xi32, #tpu.memory_space<hbm>>) dst(%dma_wait3A_127 : memref<2048xi32, #tpu.memory_space<vmem>>)
      %dma_wait3A_130 = arith.constant 0 : i32
      %dma_wait3A_131 = tpu.memref_slice %arg5[%dma_wait3A_130] : memref<8386560xf32, #tpu.memory_space<hbm>> -> memref<2048xf32, #tpu.memory_space<hbm>>
      %dma_wait3A_132 = arith.constant 0 : i32
      %dma_wait3A_133 = tpu.memref_slice %arg5[%dma_wait3A_132] : memref<8386560xf32, #tpu.memory_space<hbm>> -> memref<2048xf32, #tpu.memory_space<hbm>>
      tpu.wait_dma2 semaphore(%arg15 : memref<!tpu.dma_semaphore, #tpu.memory_space<semaphore_mem>>) src(%dma_wait3A_133 : memref<2048xf32, #tpu.memory_space<hbm>>) dst(%arg11 : memref<2048xf32, #tpu.memory_space<vmem>>)
      %parallel_loop3A = arith.constant 0 : i32
      %parallel_loop3A_134 = arith.constant 16 : i32
      %parallel_loop3A_135 = arith.constant 1 : i32
      %parallel_loop3A_136:8 = scf.for %parallel_loop3A_208 = %parallel_loop3A to %parallel_loop3A_134 step %parallel_loop3A_135 iter_args(%parallel_loop3A_209 = %while3A_103, %parallel_loop3A_210 = %while3A_104, %parallel_loop3A_211 = %while3A_105, %parallel_loop3A_212 = %while3A_106, %parallel_loop3A_213 = %while3A_107, %parallel_loop3A_214 = %while3A_108, %parallel_loop3A_215 = %while3A_109, %parallel_loop3A_216 = %while3A_110) -> (vector<16xf32>, vector<16xf32>, vector<16xf32>, vector<16xf32>, vector<16xf32>, vector<16xf32>, vector<16xf32>, vector<16xf32>)  : i32 {
        %parallel_loop3A_217 = arith.constant 128 : i32
        %parallel_loop3A_218 = arith.muli %parallel_loop3A_208, %parallel_loop3A_217 : i32
        %parallel_loop3A_219 = arith.constant 0 : i32
        %parallel_loop3A_220 = arith.addi %parallel_loop3A_218, %parallel_loop3A_219 : i32
        %parallel_loop3A_221 = arith.index_cast %parallel_loop3A_220 : i32 to index
        %parallel_loop3A_222 = tpu.vector_load %arg8[%parallel_loop3A_221] {strides = array<i32>} : memref<4096xi32, #tpu.memory_space<vmem>>, vector<16xi32>,
        %parallel_loop3A_223 = arith.constant 2048 : i32
        %parallel_loop3A_224 = arith.addi %parallel_loop3A_223, %parallel_loop3A_220 : i32
        %parallel_loop3A_225 = arith.index_cast %parallel_loop3A_224 : i32 to index
        %parallel_loop3A_226 = tpu.vector_load %arg8[%parallel_loop3A_225] {strides = array<i32>} : memref<4096xi32, #tpu.memory_space<vmem>>, vector<16xi32>,
        %parallel_loop3A_227 = tpu.vector_load_idx %arg7[%parallel_loop3A_222] : memref<4096xf32, #tpu.memory_space<vmem>>[vector<16xi32>], vector<16xf32>,
        %parallel_loop3A_228 = tpu.vector_load_idx %arg7[%parallel_loop3A_226] : memref<4096xf32, #tpu.memory_space<vmem>>[vector<16xi32>], vector<16xf32>,
        %parallel_loop3A_229 = arith.index_cast %parallel_loop3A_220 : i32 to index
        %parallel_loop3A_230 = tpu.vector_load %arg11[%parallel_loop3A_229] {strides = array<i32>} : memref<2048xf32, #tpu.memory_space<vmem>>, vector<16xf32>,
        %parallel_loop3A_231 = arith.mulf %parallel_loop3A_227, %parallel_loop3A_228 : vector<16xf32>
        %parallel_loop3A_232 = arith.mulf %parallel_loop3A_231, %parallel_loop3A_230 : vector<16xf32>
        %parallel_loop3A_233 = arith.addf %parallel_loop3A_209, %parallel_loop3A_232 : vector<16xf32>
        %parallel_loop3A_234 = arith.constant 128 : i32
        %parallel_loop3A_235 = arith.muli %parallel_loop3A_208, %parallel_loop3A_234 : i32
        %parallel_loop3A_236 = arith.constant 16 : i32
        %parallel_loop3A_237 = arith.addi %parallel_loop3A_235, %parallel_loop3A_236 : i32
        %parallel_loop3A_238 = arith.index_cast %parallel_loop3A_237 : i32 to index
        %parallel_loop3A_239 = tpu.vector_load %arg8[%parallel_loop3A_238] {strides = array<i32>} : memref<4096xi32, #tpu.memory_space<vmem>>, vector<16xi32>,
        %parallel_loop3A_240 = arith.constant 2048 : i32
        %parallel_loop3A_241 = arith.addi %parallel_loop3A_240, %parallel_loop3A_237 : i32
        %parallel_loop3A_242 = arith.index_cast %parallel_loop3A_241 : i32 to index
        %parallel_loop3A_243 = tpu.vector_load %arg8[%parallel_loop3A_242] {strides = array<i32>} : memref<4096xi32, #tpu.memory_space<vmem>>, vector<16xi32>,
        %parallel_loop3A_244 = tpu.vector_load_idx %arg7[%parallel_loop3A_239] : memref<4096xf32, #tpu.memory_space<vmem>>[vector<16xi32>], vector<16xf32>,
        %parallel_loop3A_245 = tpu.vector_load_idx %arg7[%parallel_loop3A_243] : memref<4096xf32, #tpu.memory_space<vmem>>[vector<16xi32>], vector<16xf32>,
        %parallel_loop3A_246 = arith.index_cast %parallel_loop3A_237 : i32 to index
        %parallel_loop3A_247 = tpu.vector_load %arg11[%parallel_loop3A_246] {strides = array<i32>} : memref<2048xf32, #tpu.memory_space<vmem>>, vector<16xf32>,
        %parallel_loop3A_248 = arith.mulf %parallel_loop3A_244, %parallel_loop3A_245 : vector<16xf32>
        %parallel_loop3A_249 = arith.mulf %parallel_loop3A_248, %parallel_loop3A_247 : vector<16xf32>
        %parallel_loop3A_250 = arith.addf %parallel_loop3A_210, %parallel_loop3A_249 : vector<16xf32>
        %parallel_loop3A_251 = arith.constant 128 : i32
        %parallel_loop3A_252 = arith.muli %parallel_loop3A_208, %parallel_loop3A_251 : i32
        %parallel_loop3A_253 = arith.constant 32 : i32
        %parallel_loop3A_254 = arith.addi %parallel_loop3A_252, %parallel_loop3A_253 : i32
        %parallel_loop3A_255 = arith.index_cast %parallel_loop3A_254 : i32 to index
        %parallel_loop3A_256 = tpu.vector_load %arg8[%parallel_loop3A_255] {strides = array<i32>} : memref<4096xi32, #tpu.memory_space<vmem>>, vector<16xi32>,
        %parallel_loop3A_257 = arith.constant 2048 : i32
        %parallel_loop3A_258 = arith.addi %parallel_loop3A_257, %parallel_loop3A_254 : i32
        %parallel_loop3A_259 = arith.index_cast %parallel_loop3A_258 : i32 to index
        %parallel_loop3A_260 = tpu.vector_load %arg8[%parallel_loop3A_259] {strides = array<i32>} : memref<4096xi32, #tpu.memory_space<vmem>>, vector<16xi32>,
        %parallel_loop3A_261 = tpu.vector_load_idx %arg7[%parallel_loop3A_256] : memref<4096xf32, #tpu.memory_space<vmem>>[vector<16xi32>], vector<16xf32>,
        %parallel_loop3A_262 = tpu.vector_load_idx %arg7[%parallel_loop3A_260] : memref<4096xf32, #tpu.memory_space<vmem>>[vector<16xi32>], vector<16xf32>,
        %parallel_loop3A_263 = arith.index_cast %parallel_loop3A_254 : i32 to index
        %parallel_loop3A_264 = tpu.vector_load %arg11[%parallel_loop3A_263] {strides = array<i32>} : memref<2048xf32, #tpu.memory_space<vmem>>, vector<16xf32>,
        %parallel_loop3A_265 = arith.mulf %parallel_loop3A_261, %parallel_loop3A_262 : vector<16xf32>
        %parallel_loop3A_266 = arith.mulf %parallel_loop3A_265, %parallel_loop3A_264 : vector<16xf32>
        %parallel_loop3A_267 = arith.addf %parallel_loop3A_211, %parallel_loop3A_266 : vector<16xf32>
        %parallel_loop3A_268 = arith.constant 128 : i32
        %parallel_loop3A_269 = arith.muli %parallel_loop3A_208, %parallel_loop3A_268 : i32
        %parallel_loop3A_270 = arith.constant 48 : i32
        %parallel_loop3A_271 = arith.addi %parallel_loop3A_269, %parallel_loop3A_270 : i32
        %parallel_loop3A_272 = arith.index_cast %parallel_loop3A_271 : i32 to index
        %parallel_loop3A_273 = tpu.vector_load %arg8[%parallel_loop3A_272] {strides = array<i32>} : memref<4096xi32, #tpu.memory_space<vmem>>, vector<16xi32>,
        %parallel_loop3A_274 = arith.constant 2048 : i32
        %parallel_loop3A_275 = arith.addi %parallel_loop3A_274, %parallel_loop3A_271 : i32
        %parallel_loop3A_276 = arith.index_cast %parallel_loop3A_275 : i32 to index
        %parallel_loop3A_277 = tpu.vector_load %arg8[%parallel_loop3A_276] {strides = array<i32>} : memref<4096xi32, #tpu.memory_space<vmem>>, vector<16xi32>,
        %parallel_loop3A_278 = tpu.vector_load_idx %arg7[%parallel_loop3A_273] : memref<4096xf32, #tpu.memory_space<vmem>>[vector<16xi32>], vector<16xf32>,
        %parallel_loop3A_279 = tpu.vector_load_idx %arg7[%parallel_loop3A_277] : memref<4096xf32, #tpu.memory_space<vmem>>[vector<16xi32>], vector<16xf32>,
        %parallel_loop3A_280 = arith.index_cast %parallel_loop3A_271 : i32 to index
        %parallel_loop3A_281 = tpu.vector_load %arg11[%parallel_loop3A_280] {strides = array<i32>} : memref<2048xf32, #tpu.memory_space<vmem>>, vector<16xf32>,
        %parallel_loop3A_282 = arith.mulf %parallel_loop3A_278, %parallel_loop3A_279 : vector<16xf32>
        %parallel_loop3A_283 = arith.mulf %parallel_loop3A_282, %parallel_loop3A_281 : vector<16xf32>
        %parallel_loop3A_284 = arith.addf %parallel_loop3A_212, %parallel_loop3A_283 : vector<16xf32>
        %parallel_loop3A_285 = arith.constant 128 : i32
        %parallel_loop3A_286 = arith.muli %parallel_loop3A_208, %parallel_loop3A_285 : i32
        %parallel_loop3A_287 = arith.constant 64 : i32
        %parallel_loop3A_288 = arith.addi %parallel_loop3A_286, %parallel_loop3A_287 : i32
        %parallel_loop3A_289 = arith.index_cast %parallel_loop3A_288 : i32 to index
        %parallel_loop3A_290 = tpu.vector_load %arg8[%parallel_loop3A_289] {strides = array<i32>} : memref<4096xi32, #tpu.memory_space<vmem>>, vector<16xi32>,
        %parallel_loop3A_291 = arith.constant 2048 : i32
        %parallel_loop3A_292 = arith.addi %parallel_loop3A_291, %parallel_loop3A_288 : i32
        %parallel_loop3A_293 = arith.index_cast %parallel_loop3A_292 : i32 to index
        %parallel_loop3A_294 = tpu.vector_load %arg8[%parallel_loop3A_293] {strides = array<i32>} : memref<4096xi32, #tpu.memory_space<vmem>>, vector<16xi32>,
        %parallel_loop3A_295 = tpu.vector_load_idx %arg7[%parallel_loop3A_290] : memref<4096xf32, #tpu.memory_space<vmem>>[vector<16xi32>], vector<16xf32>,
        %parallel_loop3A_296 = tpu.vector_load_idx %arg7[%parallel_loop3A_294] : memref<4096xf32, #tpu.memory_space<vmem>>[vector<16xi32>], vector<16xf32>,
        %parallel_loop3A_297 = arith.index_cast %parallel_loop3A_288 : i32 to index
        %parallel_loop3A_298 = tpu.vector_load %arg11[%parallel_loop3A_297] {strides = array<i32>} : memref<2048xf32, #tpu.memory_space<vmem>>, vector<16xf32>,
        %parallel_loop3A_299 = arith.mulf %parallel_loop3A_295, %parallel_loop3A_296 : vector<16xf32>
        %parallel_loop3A_300 = arith.mulf %parallel_loop3A_299, %parallel_loop3A_298 : vector<16xf32>
        %parallel_loop3A_301 = arith.addf %parallel_loop3A_213, %parallel_loop3A_300 : vector<16xf32>
        %parallel_loop3A_302 = arith.constant 128 : i32
        %parallel_loop3A_303 = arith.muli %parallel_loop3A_208, %parallel_loop3A_302 : i32
        %parallel_loop3A_304 = arith.constant 80 : i32
        %parallel_loop3A_305 = arith.addi %parallel_loop3A_303, %parallel_loop3A_304 : i32
        %parallel_loop3A_306 = arith.index_cast %parallel_loop3A_305 : i32 to index
        %parallel_loop3A_307 = tpu.vector_load %arg8[%parallel_loop3A_306] {strides = array<i32>} : memref<4096xi32, #tpu.memory_space<vmem>>, vector<16xi32>,
        %parallel_loop3A_308 = arith.constant 2048 : i32
        %parallel_loop3A_309 = arith.addi %parallel_loop3A_308, %parallel_loop3A_305 : i32
        %parallel_loop3A_310 = arith.index_cast %parallel_loop3A_309 : i32 to index
        %parallel_loop3A_311 = tpu.vector_load %arg8[%parallel_loop3A_310] {strides = array<i32>} : memref<4096xi32, #tpu.memory_space<vmem>>, vector<16xi32>,
        %parallel_loop3A_312 = tpu.vector_load_idx %arg7[%parallel_loop3A_307] : memref<4096xf32, #tpu.memory_space<vmem>>[vector<16xi32>], vector<16xf32>,
        %parallel_loop3A_313 = tpu.vector_load_idx %arg7[%parallel_loop3A_311] : memref<4096xf32, #tpu.memory_space<vmem>>[vector<16xi32>], vector<16xf32>,
        %parallel_loop3A_314 = arith.index_cast %parallel_loop3A_305 : i32 to index
        %parallel_loop3A_315 = tpu.vector_load %arg11[%parallel_loop3A_314] {strides = array<i32>} : memref<2048xf32, #tpu.memory_space<vmem>>, vector<16xf32>,
        %parallel_loop3A_316 = arith.mulf %parallel_loop3A_312, %parallel_loop3A_313 : vector<16xf32>
        %parallel_loop3A_317 = arith.mulf %parallel_loop3A_316, %parallel_loop3A_315 : vector<16xf32>
        %parallel_loop3A_318 = arith.addf %parallel_loop3A_214, %parallel_loop3A_317 : vector<16xf32>
        %parallel_loop3A_319 = arith.constant 128 : i32
        %parallel_loop3A_320 = arith.muli %parallel_loop3A_208, %parallel_loop3A_319 : i32
        %parallel_loop3A_321 = arith.constant 96 : i32
        %parallel_loop3A_322 = arith.addi %parallel_loop3A_320, %parallel_loop3A_321 : i32
        %parallel_loop3A_323 = arith.index_cast %parallel_loop3A_322 : i32 to index
        %parallel_loop3A_324 = tpu.vector_load %arg8[%parallel_loop3A_323] {strides = array<i32>} : memref<4096xi32, #tpu.memory_space<vmem>>, vector<16xi32>,
        %parallel_loop3A_325 = arith.constant 2048 : i32
        %parallel_loop3A_326 = arith.addi %parallel_loop3A_325, %parallel_loop3A_322 : i32
        %parallel_loop3A_327 = arith.index_cast %parallel_loop3A_326 : i32 to index
        %parallel_loop3A_328 = tpu.vector_load %arg8[%parallel_loop3A_327] {strides = array<i32>} : memref<4096xi32, #tpu.memory_space<vmem>>, vector<16xi32>,
        %parallel_loop3A_329 = tpu.vector_load_idx %arg7[%parallel_loop3A_324] : memref<4096xf32, #tpu.memory_space<vmem>>[vector<16xi32>], vector<16xf32>,
        %parallel_loop3A_330 = tpu.vector_load_idx %arg7[%parallel_loop3A_328] : memref<4096xf32, #tpu.memory_space<vmem>>[vector<16xi32>], vector<16xf32>,
        %parallel_loop3A_331 = arith.index_cast %parallel_loop3A_322 : i32 to index
        %parallel_loop3A_332 = tpu.vector_load %arg11[%parallel_loop3A_331] {strides = array<i32>} : memref<2048xf32, #tpu.memory_space<vmem>>, vector<16xf32>,
        %parallel_loop3A_333 = arith.mulf %parallel_loop3A_329, %parallel_loop3A_330 : vector<16xf32>
        %parallel_loop3A_334 = arith.mulf %parallel_loop3A_333, %parallel_loop3A_332 : vector<16xf32>
        %parallel_loop3A_335 = arith.addf %parallel_loop3A_215, %parallel_loop3A_334 : vector<16xf32>
        %parallel_loop3A_336 = arith.constant 128 : i32
        %parallel_loop3A_337 = arith.muli %parallel_loop3A_208, %parallel_loop3A_336 : i32
        %parallel_loop3A_338 = arith.constant 112 : i32
        %parallel_loop3A_339 = arith.addi %parallel_loop3A_337, %parallel_loop3A_338 : i32
        %parallel_loop3A_340 = arith.index_cast %parallel_loop3A_339 : i32 to index
        %parallel_loop3A_341 = tpu.vector_load %arg8[%parallel_loop3A_340] {strides = array<i32>} : memref<4096xi32, #tpu.memory_space<vmem>>, vector<16xi32>,
        %parallel_loop3A_342 = arith.constant 2048 : i32
        %parallel_loop3A_343 = arith.addi %parallel_loop3A_342, %parallel_loop3A_339 : i32
        %parallel_loop3A_344 = arith.index_cast %parallel_loop3A_343 : i32 to index
        %parallel_loop3A_345 = tpu.vector_load %arg8[%parallel_loop3A_344] {strides = array<i32>} : memref<4096xi32, #tpu.memory_space<vmem>>, vector<16xi32>,
        %parallel_loop3A_346 = tpu.vector_load_idx %arg7[%parallel_loop3A_341] : memref<4096xf32, #tpu.memory_space<vmem>>[vector<16xi32>], vector<16xf32>,
        %parallel_loop3A_347 = tpu.vector_load_idx %arg7[%parallel_loop3A_345] : memref<4096xf32, #tpu.memory_space<vmem>>[vector<16xi32>], vector<16xf32>,
        %parallel_loop3A_348 = arith.index_cast %parallel_loop3A_339 : i32 to index
        %parallel_loop3A_349 = tpu.vector_load %arg11[%parallel_loop3A_348] {strides = array<i32>} : memref<2048xf32, #tpu.memory_space<vmem>>, vector<16xf32>,
        %parallel_loop3A_350 = arith.mulf %parallel_loop3A_346, %parallel_loop3A_347 : vector<16xf32>
        %parallel_loop3A_351 = arith.mulf %parallel_loop3A_350, %parallel_loop3A_349 : vector<16xf32>
        %parallel_loop3A_352 = arith.addf %parallel_loop3A_216, %parallel_loop3A_351 : vector<16xf32>
        scf.yield %parallel_loop3A_233, %parallel_loop3A_250, %parallel_loop3A_267, %parallel_loop3A_284, %parallel_loop3A_301, %parallel_loop3A_318, %parallel_loop3A_335, %parallel_loop3A_352 : vector<16xf32>, vector<16xf32>, vector<16xf32>, vector<16xf32>, vector<16xf32>, vector<16xf32>, vector<16xf32>, vector<16xf32>
      } {sc.loop_unroll_factor = 2 : i64, sc.parallel_access}
      %add3A_137 = arith.constant 3 : i32
      %add3A_138 = arith.addi %add3A_114, %add3A_137 : i32
      %lt3A = arith.cmpi slt, %add3A_138, %min3A : i32
      %convert_element_type3A = arith.extui %lt3A : i1 to i32
      %cond3A = arith.constant 0 : i32
      %cond3A_139 = arith.cmpi ne, %convert_element_type3A, %cond3A : i32
      scf.if %cond3A_139 {
        %add3A_208 = arith.constant 3 : i32
        %add3A_209 = arith.addi %add3A_114, %add3A_208 : i32
        %add3A_210 = arith.addi %mul3A_2, %add3A_209 : i32
        %mul3A_211 = arith.constant 2048 : i32
        %mul3A_212 = arith.muli %add3A_210, %mul3A_211 : i32
        %dma_start3A_213 = arith.constant 0 : i32
        %dma_start3A_214 = tpu.memref_slice %arg8[%dma_start3A_213] : memref<4096xi32, #tpu.memory_space<vmem>> -> memref<2048xi32, #tpu.memory_space<vmem>>
        %dma_start3A_215 = tpu.memref_slice %arg3[%mul3A_212] : memref<8386560xi32, #tpu.memory_space<hbm>> -> memref<2048xi32, #tpu.memory_space<hbm>>
        %dma_start3A_216 = arith.constant 0 : i32
        %dma_start3A_217 = tpu.memref_slice %arg8[%dma_start3A_216] : memref<4096xi32, #tpu.memory_space<vmem>> -> memref<2048xi32, #tpu.memory_space<vmem>>
        %dma_start3A_218 = tpu.memref_slice %arg3[%mul3A_212] : memref<8386560xi32, #tpu.memory_space<hbm>> -> memref<2048xi32, #tpu.memory_space<hbm>>
        tpu.enqueue_dma source(%dma_start3A_218 : memref<2048xi32, #tpu.memory_space<hbm>>) target(%dma_start3A_217 : memref<2048xi32, #tpu.memory_space<vmem>>) target_semaphore(%arg15 : memref<!tpu.dma_semaphore, #tpu.memory_space<semaphore_mem>>)
        %dma_start3A_219 = arith.constant 2048 : i32
        %dma_start3A_220 = tpu.memref_slice %arg8[%dma_start3A_219] : memref<4096xi32, #tpu.memory_space<vmem>> -> memref<2048xi32, #tpu.memory_space<vmem>>
        %dma_start3A_221 = tpu.memref_slice %arg4[%mul3A_212] : memref<8386560xi32, #tpu.memory_space<hbm>> -> memref<2048xi32, #tpu.memory_space<hbm>>
        %dma_start3A_222 = arith.constant 2048 : i32
        %dma_start3A_223 = tpu.memref_slice %arg8[%dma_start3A_222] : memref<4096xi32, #tpu.memory_space<vmem>> -> memref<2048xi32, #tpu.memory_space<vmem>>
        %dma_start3A_224 = tpu.memref_slice %arg4[%mul3A_212] : memref<8386560xi32, #tpu.memory_space<hbm>> -> memref<2048xi32, #tpu.memory_space<hbm>>
        tpu.enqueue_dma source(%dma_start3A_224 : memref<2048xi32, #tpu.memory_space<hbm>>) target(%dma_start3A_223 : memref<2048xi32, #tpu.memory_space<vmem>>) target_semaphore(%arg15 : memref<!tpu.dma_semaphore, #tpu.memory_space<semaphore_mem>>)
        %dma_start3A_225 = tpu.memref_slice %arg5[%mul3A_212] : memref<8386560xf32, #tpu.memory_space<hbm>> -> memref<2048xf32, #tpu.memory_space<hbm>>
        %dma_start3A_226 = tpu.memref_slice %arg5[%mul3A_212] : memref<8386560xf32, #tpu.memory_space<hbm>> -> memref<2048xf32, #tpu.memory_space<hbm>>
        tpu.enqueue_dma source(%dma_start3A_226 : memref<2048xf32, #tpu.memory_space<hbm>>) target(%arg11 : memref<2048xf32, #tpu.memory_space<vmem>>) target_semaphore(%arg15 : memref<!tpu.dma_semaphore, #tpu.memory_space<semaphore_mem>>)
      } else {
      }
      %mul3A_140 = arith.constant 3 : i32
      %mul3A_141 = arith.muli %mul3A_140, %while3A_102 : i32
      %add3A_142 = arith.constant 1 : i32
      %add3A_143 = arith.addi %mul3A_141, %add3A_142 : i32
      %dma_wait3A_144 = arith.constant 0 : i32
      %dma_wait3A_145 = tpu.memref_slice %arg9[%dma_wait3A_144] : memref<4096xi32, #tpu.memory_space<vmem>> -> memref<2048xi32, #tpu.memory_space<vmem>>
      %dma_wait3A_146 = arith.constant 0 : i32
      %dma_wait3A_147 = tpu.memref_slice %arg3[%dma_wait3A_146] : memref<8386560xi32, #tpu.memory_space<hbm>> -> memref<2048xi32, #tpu.memory_space<hbm>>
      %dma_wait3A_148 = arith.constant 0 : i32
      %dma_wait3A_149 = tpu.memref_slice %arg9[%dma_wait3A_148] : memref<4096xi32, #tpu.memory_space<vmem>> -> memref<2048xi32, #tpu.memory_space<vmem>>
      %dma_wait3A_150 = arith.constant 0 : i32
      %dma_wait3A_151 = tpu.memref_slice %arg3[%dma_wait3A_150] : memref<8386560xi32, #tpu.memory_space<hbm>> -> memref<2048xi32, #tpu.memory_space<hbm>>
      tpu.wait_dma2 semaphore(%arg16 : memref<!tpu.dma_semaphore, #tpu.memory_space<semaphore_mem>>) src(%dma_wait3A_151 : memref<2048xi32, #tpu.memory_space<hbm>>) dst(%dma_wait3A_149 : memref<2048xi32, #tpu.memory_space<vmem>>)
      %dma_wait3A_152 = arith.constant 2048 : i32
      %dma_wait3A_153 = tpu.memref_slice %arg9[%dma_wait3A_152] : memref<4096xi32, #tpu.memory_space<vmem>> -> memref<2048xi32, #tpu.memory_space<vmem>>
      %dma_wait3A_154 = arith.constant 0 : i32
      %dma_wait3A_155 = tpu.memref_slice %arg3[%dma_wait3A_154] : memref<8386560xi32, #tpu.memory_space<hbm>> -> memref<2048xi32, #tpu.memory_space<hbm>>
      %dma_wait3A_156 = arith.constant 2048 : i32
      %dma_wait3A_157 = tpu.memref_slice %arg9[%dma_wait3A_156] : memref<4096xi32, #tpu.memory_space<vmem>> -> memref<2048xi32, #tpu.memory_space<vmem>>
      %dma_wait3A_158 = arith.constant 0 : i32
      %dma_wait3A_159 = tpu.memref_slice %arg3[%dma_wait3A_158] : memref<8386560xi32, #tpu.memory_space<hbm>> -> memref<2048xi32, #tpu.memory_space<hbm>>
      tpu.wait_dma2 semaphore(%arg16 : memref<!tpu.dma_semaphore, #tpu.memory_space<semaphore_mem>>) src(%dma_wait3A_159 : memref<2048xi32, #tpu.memory_space<hbm>>) dst(%dma_wait3A_157 : memref<2048xi32, #tpu.memory_space<vmem>>)
      %dma_wait3A_160 = arith.constant 0 : i32
      %dma_wait3A_161 = tpu.memref_slice %arg5[%dma_wait3A_160] : memref<8386560xf32, #tpu.memory_space<hbm>> -> memref<2048xf32, #tpu.memory_space<hbm>>
      %dma_wait3A_162 = arith.constant 0 : i32
      %dma_wait3A_163 = tpu.memref_slice %arg5[%dma_wait3A_162] : memref<8386560xf32, #tpu.memory_space<hbm>> -> memref<2048xf32, #tpu.memory_space<hbm>>
      tpu.wait_dma2 semaphore(%arg16 : memref<!tpu.dma_semaphore, #tpu.memory_space<semaphore_mem>>) src(%dma_wait3A_163 : memref<2048xf32, #tpu.memory_space<hbm>>) dst(%arg12 : memref<2048xf32, #tpu.memory_space<vmem>>)
      %parallel_loop3A_164 = arith.constant 0 : i32
      %parallel_loop3A_165 = arith.constant 16 : i32
      %parallel_loop3A_166 = arith.constant 1 : i32
      %parallel_loop3A_167:8 = scf.for %parallel_loop3A_208 = %parallel_loop3A_164 to %parallel_loop3A_165 step %parallel_loop3A_166 iter_args(%parallel_loop3A_209 = %parallel_loop3A_136#0, %parallel_loop3A_210 = %parallel_loop3A_136#1, %parallel_loop3A_211 = %parallel_loop3A_136#2, %parallel_loop3A_212 = %parallel_loop3A_136#3, %parallel_loop3A_213 = %parallel_loop3A_136#4, %parallel_loop3A_214 = %parallel_loop3A_136#5, %parallel_loop3A_215 = %parallel_loop3A_136#6, %parallel_loop3A_216 = %parallel_loop3A_136#7) -> (vector<16xf32>, vector<16xf32>, vector<16xf32>, vector<16xf32>, vector<16xf32>, vector<16xf32>, vector<16xf32>, vector<16xf32>)  : i32 {
        %parallel_loop3A_217 = arith.constant 128 : i32
        %parallel_loop3A_218 = arith.muli %parallel_loop3A_208, %parallel_loop3A_217 : i32
        %parallel_loop3A_219 = arith.constant 0 : i32
        %parallel_loop3A_220 = arith.addi %parallel_loop3A_218, %parallel_loop3A_219 : i32
        %parallel_loop3A_221 = arith.index_cast %parallel_loop3A_220 : i32 to index
        %parallel_loop3A_222 = tpu.vector_load %arg9[%parallel_loop3A_221] {strides = array<i32>} : memref<4096xi32, #tpu.memory_space<vmem>>, vector<16xi32>,
        %parallel_loop3A_223 = arith.constant 2048 : i32
        %parallel_loop3A_224 = arith.addi %parallel_loop3A_223, %parallel_loop3A_220 : i32
        %parallel_loop3A_225 = arith.index_cast %parallel_loop3A_224 : i32 to index
        %parallel_loop3A_226 = tpu.vector_load %arg9[%parallel_loop3A_225] {strides = array<i32>} : memref<4096xi32, #tpu.memory_space<vmem>>, vector<16xi32>,
        %parallel_loop3A_227 = tpu.vector_load_idx %arg7[%parallel_loop3A_222] : memref<4096xf32, #tpu.memory_space<vmem>>[vector<16xi32>], vector<16xf32>,
        %parallel_loop3A_228 = tpu.vector_load_idx %arg7[%parallel_loop3A_226] : memref<4096xf32, #tpu.memory_space<vmem>>[vector<16xi32>], vector<16xf32>,
        %parallel_loop3A_229 = arith.index_cast %parallel_loop3A_220 : i32 to index
        %parallel_loop3A_230 = tpu.vector_load %arg12[%parallel_loop3A_229] {strides = array<i32>} : memref<2048xf32, #tpu.memory_space<vmem>>, vector<16xf32>,
        %parallel_loop3A_231 = arith.mulf %parallel_loop3A_227, %parallel_loop3A_228 : vector<16xf32>
        %parallel_loop3A_232 = arith.mulf %parallel_loop3A_231, %parallel_loop3A_230 : vector<16xf32>
        %parallel_loop3A_233 = arith.addf %parallel_loop3A_209, %parallel_loop3A_232 : vector<16xf32>
        %parallel_loop3A_234 = arith.constant 128 : i32
        %parallel_loop3A_235 = arith.muli %parallel_loop3A_208, %parallel_loop3A_234 : i32
        %parallel_loop3A_236 = arith.constant 16 : i32
        %parallel_loop3A_237 = arith.addi %parallel_loop3A_235, %parallel_loop3A_236 : i32
        %parallel_loop3A_238 = arith.index_cast %parallel_loop3A_237 : i32 to index
        %parallel_loop3A_239 = tpu.vector_load %arg9[%parallel_loop3A_238] {strides = array<i32>} : memref<4096xi32, #tpu.memory_space<vmem>>, vector<16xi32>,
        %parallel_loop3A_240 = arith.constant 2048 : i32
        %parallel_loop3A_241 = arith.addi %parallel_loop3A_240, %parallel_loop3A_237 : i32
        %parallel_loop3A_242 = arith.index_cast %parallel_loop3A_241 : i32 to index
        %parallel_loop3A_243 = tpu.vector_load %arg9[%parallel_loop3A_242] {strides = array<i32>} : memref<4096xi32, #tpu.memory_space<vmem>>, vector<16xi32>,
        %parallel_loop3A_244 = tpu.vector_load_idx %arg7[%parallel_loop3A_239] : memref<4096xf32, #tpu.memory_space<vmem>>[vector<16xi32>], vector<16xf32>,
        %parallel_loop3A_245 = tpu.vector_load_idx %arg7[%parallel_loop3A_243] : memref<4096xf32, #tpu.memory_space<vmem>>[vector<16xi32>], vector<16xf32>,
        %parallel_loop3A_246 = arith.index_cast %parallel_loop3A_237 : i32 to index
        %parallel_loop3A_247 = tpu.vector_load %arg12[%parallel_loop3A_246] {strides = array<i32>} : memref<2048xf32, #tpu.memory_space<vmem>>, vector<16xf32>,
        %parallel_loop3A_248 = arith.mulf %parallel_loop3A_244, %parallel_loop3A_245 : vector<16xf32>
        %parallel_loop3A_249 = arith.mulf %parallel_loop3A_248, %parallel_loop3A_247 : vector<16xf32>
        %parallel_loop3A_250 = arith.addf %parallel_loop3A_210, %parallel_loop3A_249 : vector<16xf32>
        %parallel_loop3A_251 = arith.constant 128 : i32
        %parallel_loop3A_252 = arith.muli %parallel_loop3A_208, %parallel_loop3A_251 : i32
        %parallel_loop3A_253 = arith.constant 32 : i32
        %parallel_loop3A_254 = arith.addi %parallel_loop3A_252, %parallel_loop3A_253 : i32
        %parallel_loop3A_255 = arith.index_cast %parallel_loop3A_254 : i32 to index
        %parallel_loop3A_256 = tpu.vector_load %arg9[%parallel_loop3A_255] {strides = array<i32>} : memref<4096xi32, #tpu.memory_space<vmem>>, vector<16xi32>,
        %parallel_loop3A_257 = arith.constant 2048 : i32
        %parallel_loop3A_258 = arith.addi %parallel_loop3A_257, %parallel_loop3A_254 : i32
        %parallel_loop3A_259 = arith.index_cast %parallel_loop3A_258 : i32 to index
        %parallel_loop3A_260 = tpu.vector_load %arg9[%parallel_loop3A_259] {strides = array<i32>} : memref<4096xi32, #tpu.memory_space<vmem>>, vector<16xi32>,
        %parallel_loop3A_261 = tpu.vector_load_idx %arg7[%parallel_loop3A_256] : memref<4096xf32, #tpu.memory_space<vmem>>[vector<16xi32>], vector<16xf32>,
        %parallel_loop3A_262 = tpu.vector_load_idx %arg7[%parallel_loop3A_260] : memref<4096xf32, #tpu.memory_space<vmem>>[vector<16xi32>], vector<16xf32>,
        %parallel_loop3A_263 = arith.index_cast %parallel_loop3A_254 : i32 to index
        %parallel_loop3A_264 = tpu.vector_load %arg12[%parallel_loop3A_263] {strides = array<i32>} : memref<2048xf32, #tpu.memory_space<vmem>>, vector<16xf32>,
        %parallel_loop3A_265 = arith.mulf %parallel_loop3A_261, %parallel_loop3A_262 : vector<16xf32>
        %parallel_loop3A_266 = arith.mulf %parallel_loop3A_265, %parallel_loop3A_264 : vector<16xf32>
        %parallel_loop3A_267 = arith.addf %parallel_loop3A_211, %parallel_loop3A_266 : vector<16xf32>
        %parallel_loop3A_268 = arith.constant 128 : i32
        %parallel_loop3A_269 = arith.muli %parallel_loop3A_208, %parallel_loop3A_268 : i32
        %parallel_loop3A_270 = arith.constant 48 : i32
        %parallel_loop3A_271 = arith.addi %parallel_loop3A_269, %parallel_loop3A_270 : i32
        %parallel_loop3A_272 = arith.index_cast %parallel_loop3A_271 : i32 to index
        %parallel_loop3A_273 = tpu.vector_load %arg9[%parallel_loop3A_272] {strides = array<i32>} : memref<4096xi32, #tpu.memory_space<vmem>>, vector<16xi32>,
        %parallel_loop3A_274 = arith.constant 2048 : i32
        %parallel_loop3A_275 = arith.addi %parallel_loop3A_274, %parallel_loop3A_271 : i32
        %parallel_loop3A_276 = arith.index_cast %parallel_loop3A_275 : i32 to index
        %parallel_loop3A_277 = tpu.vector_load %arg9[%parallel_loop3A_276] {strides = array<i32>} : memref<4096xi32, #tpu.memory_space<vmem>>, vector<16xi32>,
        %parallel_loop3A_278 = tpu.vector_load_idx %arg7[%parallel_loop3A_273] : memref<4096xf32, #tpu.memory_space<vmem>>[vector<16xi32>], vector<16xf32>,
        %parallel_loop3A_279 = tpu.vector_load_idx %arg7[%parallel_loop3A_277] : memref<4096xf32, #tpu.memory_space<vmem>>[vector<16xi32>], vector<16xf32>,
        %parallel_loop3A_280 = arith.index_cast %parallel_loop3A_271 : i32 to index
        %parallel_loop3A_281 = tpu.vector_load %arg12[%parallel_loop3A_280] {strides = array<i32>} : memref<2048xf32, #tpu.memory_space<vmem>>, vector<16xf32>,
        %parallel_loop3A_282 = arith.mulf %parallel_loop3A_278, %parallel_loop3A_279 : vector<16xf32>
        %parallel_loop3A_283 = arith.mulf %parallel_loop3A_282, %parallel_loop3A_281 : vector<16xf32>
        %parallel_loop3A_284 = arith.addf %parallel_loop3A_212, %parallel_loop3A_283 : vector<16xf32>
        %parallel_loop3A_285 = arith.constant 128 : i32
        %parallel_loop3A_286 = arith.muli %parallel_loop3A_208, %parallel_loop3A_285 : i32
        %parallel_loop3A_287 = arith.constant 64 : i32
        %parallel_loop3A_288 = arith.addi %parallel_loop3A_286, %parallel_loop3A_287 : i32
        %parallel_loop3A_289 = arith.index_cast %parallel_loop3A_288 : i32 to index
        %parallel_loop3A_290 = tpu.vector_load %arg9[%parallel_loop3A_289] {strides = array<i32>} : memref<4096xi32, #tpu.memory_space<vmem>>, vector<16xi32>,
        %parallel_loop3A_291 = arith.constant 2048 : i32
        %parallel_loop3A_292 = arith.addi %parallel_loop3A_291, %parallel_loop3A_288 : i32
        %parallel_loop3A_293 = arith.index_cast %parallel_loop3A_292 : i32 to index
        %parallel_loop3A_294 = tpu.vector_load %arg9[%parallel_loop3A_293] {strides = array<i32>} : memref<4096xi32, #tpu.memory_space<vmem>>, vector<16xi32>,
        %parallel_loop3A_295 = tpu.vector_load_idx %arg7[%parallel_loop3A_290] : memref<4096xf32, #tpu.memory_space<vmem>>[vector<16xi32>], vector<16xf32>,
        %parallel_loop3A_296 = tpu.vector_load_idx %arg7[%parallel_loop3A_294] : memref<4096xf32, #tpu.memory_space<vmem>>[vector<16xi32>], vector<16xf32>,
        %parallel_loop3A_297 = arith.index_cast %parallel_loop3A_288 : i32 to index
        %parallel_loop3A_298 = tpu.vector_load %arg12[%parallel_loop3A_297] {strides = array<i32>} : memref<2048xf32, #tpu.memory_space<vmem>>, vector<16xf32>,
        %parallel_loop3A_299 = arith.mulf %parallel_loop3A_295, %parallel_loop3A_296 : vector<16xf32>
        %parallel_loop3A_300 = arith.mulf %parallel_loop3A_299, %parallel_loop3A_298 : vector<16xf32>
        %parallel_loop3A_301 = arith.addf %parallel_loop3A_213, %parallel_loop3A_300 : vector<16xf32>
        %parallel_loop3A_302 = arith.constant 128 : i32
        %parallel_loop3A_303 = arith.muli %parallel_loop3A_208, %parallel_loop3A_302 : i32
        %parallel_loop3A_304 = arith.constant 80 : i32
        %parallel_loop3A_305 = arith.addi %parallel_loop3A_303, %parallel_loop3A_304 : i32
        %parallel_loop3A_306 = arith.index_cast %parallel_loop3A_305 : i32 to index
        %parallel_loop3A_307 = tpu.vector_load %arg9[%parallel_loop3A_306] {strides = array<i32>} : memref<4096xi32, #tpu.memory_space<vmem>>, vector<16xi32>,
        %parallel_loop3A_308 = arith.constant 2048 : i32
        %parallel_loop3A_309 = arith.addi %parallel_loop3A_308, %parallel_loop3A_305 : i32
        %parallel_loop3A_310 = arith.index_cast %parallel_loop3A_309 : i32 to index
        %parallel_loop3A_311 = tpu.vector_load %arg9[%parallel_loop3A_310] {strides = array<i32>} : memref<4096xi32, #tpu.memory_space<vmem>>, vector<16xi32>,
        %parallel_loop3A_312 = tpu.vector_load_idx %arg7[%parallel_loop3A_307] : memref<4096xf32, #tpu.memory_space<vmem>>[vector<16xi32>], vector<16xf32>,
        %parallel_loop3A_313 = tpu.vector_load_idx %arg7[%parallel_loop3A_311] : memref<4096xf32, #tpu.memory_space<vmem>>[vector<16xi32>], vector<16xf32>,
        %parallel_loop3A_314 = arith.index_cast %parallel_loop3A_305 : i32 to index
        %parallel_loop3A_315 = tpu.vector_load %arg12[%parallel_loop3A_314] {strides = array<i32>} : memref<2048xf32, #tpu.memory_space<vmem>>, vector<16xf32>,
        %parallel_loop3A_316 = arith.mulf %parallel_loop3A_312, %parallel_loop3A_313 : vector<16xf32>
        %parallel_loop3A_317 = arith.mulf %parallel_loop3A_316, %parallel_loop3A_315 : vector<16xf32>
        %parallel_loop3A_318 = arith.addf %parallel_loop3A_214, %parallel_loop3A_317 : vector<16xf32>
        %parallel_loop3A_319 = arith.constant 128 : i32
        %parallel_loop3A_320 = arith.muli %parallel_loop3A_208, %parallel_loop3A_319 : i32
        %parallel_loop3A_321 = arith.constant 96 : i32
        %parallel_loop3A_322 = arith.addi %parallel_loop3A_320, %parallel_loop3A_321 : i32
        %parallel_loop3A_323 = arith.index_cast %parallel_loop3A_322 : i32 to index
        %parallel_loop3A_324 = tpu.vector_load %arg9[%parallel_loop3A_323] {strides = array<i32>} : memref<4096xi32, #tpu.memory_space<vmem>>, vector<16xi32>,
        %parallel_loop3A_325 = arith.constant 2048 : i32
        %parallel_loop3A_326 = arith.addi %parallel_loop3A_325, %parallel_loop3A_322 : i32
        %parallel_loop3A_327 = arith.index_cast %parallel_loop3A_326 : i32 to index
        %parallel_loop3A_328 = tpu.vector_load %arg9[%parallel_loop3A_327] {strides = array<i32>} : memref<4096xi32, #tpu.memory_space<vmem>>, vector<16xi32>,
        %parallel_loop3A_329 = tpu.vector_load_idx %arg7[%parallel_loop3A_324] : memref<4096xf32, #tpu.memory_space<vmem>>[vector<16xi32>], vector<16xf32>,
        %parallel_loop3A_330 = tpu.vector_load_idx %arg7[%parallel_loop3A_328] : memref<4096xf32, #tpu.memory_space<vmem>>[vector<16xi32>], vector<16xf32>,
        %parallel_loop3A_331 = arith.index_cast %parallel_loop3A_322 : i32 to index
        %parallel_loop3A_332 = tpu.vector_load %arg12[%parallel_loop3A_331] {strides = array<i32>} : memref<2048xf32, #tpu.memory_space<vmem>>, vector<16xf32>,
        %parallel_loop3A_333 = arith.mulf %parallel_loop3A_329, %parallel_loop3A_330 : vector<16xf32>
        %parallel_loop3A_334 = arith.mulf %parallel_loop3A_333, %parallel_loop3A_332 : vector<16xf32>
        %parallel_loop3A_335 = arith.addf %parallel_loop3A_215, %parallel_loop3A_334 : vector<16xf32>
        %parallel_loop3A_336 = arith.constant 128 : i32
        %parallel_loop3A_337 = arith.muli %parallel_loop3A_208, %parallel_loop3A_336 : i32
        %parallel_loop3A_338 = arith.constant 112 : i32
        %parallel_loop3A_339 = arith.addi %parallel_loop3A_337, %parallel_loop3A_338 : i32
        %parallel_loop3A_340 = arith.index_cast %parallel_loop3A_339 : i32 to index
        %parallel_loop3A_341 = tpu.vector_load %arg9[%parallel_loop3A_340] {strides = array<i32>} : memref<4096xi32, #tpu.memory_space<vmem>>, vector<16xi32>,
        %parallel_loop3A_342 = arith.constant 2048 : i32
        %parallel_loop3A_343 = arith.addi %parallel_loop3A_342, %parallel_loop3A_339 : i32
        %parallel_loop3A_344 = arith.index_cast %parallel_loop3A_343 : i32 to index
        %parallel_loop3A_345 = tpu.vector_load %arg9[%parallel_loop3A_344] {strides = array<i32>} : memref<4096xi32, #tpu.memory_space<vmem>>, vector<16xi32>,
        %parallel_loop3A_346 = tpu.vector_load_idx %arg7[%parallel_loop3A_341] : memref<4096xf32, #tpu.memory_space<vmem>>[vector<16xi32>], vector<16xf32>,
        %parallel_loop3A_347 = tpu.vector_load_idx %arg7[%parallel_loop3A_345] : memref<4096xf32, #tpu.memory_space<vmem>>[vector<16xi32>], vector<16xf32>,
        %parallel_loop3A_348 = arith.index_cast %parallel_loop3A_339 : i32 to index
        %parallel_loop3A_349 = tpu.vector_load %arg12[%parallel_loop3A_348] {strides = array<i32>} : memref<2048xf32, #tpu.memory_space<vmem>>, vector<16xf32>,
        %parallel_loop3A_350 = arith.mulf %parallel_loop3A_346, %parallel_loop3A_347 : vector<16xf32>
        %parallel_loop3A_351 = arith.mulf %parallel_loop3A_350, %parallel_loop3A_349 : vector<16xf32>
        %parallel_loop3A_352 = arith.addf %parallel_loop3A_216, %parallel_loop3A_351 : vector<16xf32>
        scf.yield %parallel_loop3A_233, %parallel_loop3A_250, %parallel_loop3A_267, %parallel_loop3A_284, %parallel_loop3A_301, %parallel_loop3A_318, %parallel_loop3A_335, %parallel_loop3A_352 : vector<16xf32>, vector<16xf32>, vector<16xf32>, vector<16xf32>, vector<16xf32>, vector<16xf32>, vector<16xf32>, vector<16xf32>
      } {sc.loop_unroll_factor = 2 : i64, sc.parallel_access}
      %add3A_168 = arith.constant 3 : i32
      %add3A_169 = arith.addi %add3A_143, %add3A_168 : i32
      %lt3A_170 = arith.cmpi slt, %add3A_169, %min3A : i32
      %convert_element_type3A_171 = arith.extui %lt3A_170 : i1 to i32
      %cond3A_172 = arith.constant 0 : i32
      %cond3A_173 = arith.cmpi ne, %convert_element_type3A_171, %cond3A_172 : i32
      scf.if %cond3A_173 {
        %add3A_208 = arith.constant 3 : i32
        %add3A_209 = arith.addi %add3A_143, %add3A_208 : i32
        %add3A_210 = arith.addi %mul3A_2, %add3A_209 : i32
        %mul3A_211 = arith.constant 2048 : i32
        %mul3A_212 = arith.muli %add3A_210, %mul3A_211 : i32
        %dma_start3A_213 = arith.constant 0 : i32
        %dma_start3A_214 = tpu.memref_slice %arg9[%dma_start3A_213] : memref<4096xi32, #tpu.memory_space<vmem>> -> memref<2048xi32, #tpu.memory_space<vmem>>
        %dma_start3A_215 = tpu.memref_slice %arg3[%mul3A_212] : memref<8386560xi32, #tpu.memory_space<hbm>> -> memref<2048xi32, #tpu.memory_space<hbm>>
        %dma_start3A_216 = arith.constant 0 : i32
        %dma_start3A_217 = tpu.memref_slice %arg9[%dma_start3A_216] : memref<4096xi32, #tpu.memory_space<vmem>> -> memref<2048xi32, #tpu.memory_space<vmem>>
        %dma_start3A_218 = tpu.memref_slice %arg3[%mul3A_212] : memref<8386560xi32, #tpu.memory_space<hbm>> -> memref<2048xi32, #tpu.memory_space<hbm>>
        tpu.enqueue_dma source(%dma_start3A_218 : memref<2048xi32, #tpu.memory_space<hbm>>) target(%dma_start3A_217 : memref<2048xi32, #tpu.memory_space<vmem>>) target_semaphore(%arg16 : memref<!tpu.dma_semaphore, #tpu.memory_space<semaphore_mem>>)
        %dma_start3A_219 = arith.constant 2048 : i32
        %dma_start3A_220 = tpu.memref_slice %arg9[%dma_start3A_219] : memref<4096xi32, #tpu.memory_space<vmem>> -> memref<2048xi32, #tpu.memory_space<vmem>>
        %dma_start3A_221 = tpu.memref_slice %arg4[%mul3A_212] : memref<8386560xi32, #tpu.memory_space<hbm>> -> memref<2048xi32, #tpu.memory_space<hbm>>
        %dma_start3A_222 = arith.constant 2048 : i32
        %dma_start3A_223 = tpu.memref_slice %arg9[%dma_start3A_222] : memref<4096xi32, #tpu.memory_space<vmem>> -> memref<2048xi32, #tpu.memory_space<vmem>>
        %dma_start3A_224 = tpu.memref_slice %arg4[%mul3A_212] : memref<8386560xi32, #tpu.memory_space<hbm>> -> memref<2048xi32, #tpu.memory_space<hbm>>
        tpu.enqueue_dma source(%dma_start3A_224 : memref<2048xi32, #tpu.memory_space<hbm>>) target(%dma_start3A_223 : memref<2048xi32, #tpu.memory_space<vmem>>) target_semaphore(%arg16 : memref<!tpu.dma_semaphore, #tpu.memory_space<semaphore_mem>>)
        %dma_start3A_225 = tpu.memref_slice %arg5[%mul3A_212] : memref<8386560xf32, #tpu.memory_space<hbm>> -> memref<2048xf32, #tpu.memory_space<hbm>>
        %dma_start3A_226 = tpu.memref_slice %arg5[%mul3A_212] : memref<8386560xf32, #tpu.memory_space<hbm>> -> memref<2048xf32, #tpu.memory_space<hbm>>
        tpu.enqueue_dma source(%dma_start3A_226 : memref<2048xf32, #tpu.memory_space<hbm>>) target(%arg12 : memref<2048xf32, #tpu.memory_space<vmem>>) target_semaphore(%arg16 : memref<!tpu.dma_semaphore, #tpu.memory_space<semaphore_mem>>)
      } else {
      }
      %mul3A_174 = arith.constant 3 : i32
      %mul3A_175 = arith.muli %mul3A_174, %while3A_102 : i32
      %add3A_176 = arith.constant 2 : i32
      %add3A_177 = arith.addi %mul3A_175, %add3A_176 : i32
      %dma_wait3A_178 = arith.constant 0 : i32
      %dma_wait3A_179 = tpu.memref_slice %arg10[%dma_wait3A_178] : memref<4096xi32, #tpu.memory_space<vmem>> -> memref<2048xi32, #tpu.memory_space<vmem>>
      %dma_wait3A_180 = arith.constant 0 : i32
      %dma_wait3A_181 = tpu.memref_slice %arg3[%dma_wait3A_180] : memref<8386560xi32, #tpu.memory_space<hbm>> -> memref<2048xi32, #tpu.memory_space<hbm>>
      %dma_wait3A_182 = arith.constant 0 : i32
      %dma_wait3A_183 = tpu.memref_slice %arg10[%dma_wait3A_182] : memref<4096xi32, #tpu.memory_space<vmem>> -> memref<2048xi32, #tpu.memory_space<vmem>>
      %dma_wait3A_184 = arith.constant 0 : i32
      %dma_wait3A_185 = tpu.memref_slice %arg3[%dma_wait3A_184] : memref<8386560xi32, #tpu.memory_space<hbm>> -> memref<2048xi32, #tpu.memory_space<hbm>>
      tpu.wait_dma2 semaphore(%arg17 : memref<!tpu.dma_semaphore, #tpu.memory_space<semaphore_mem>>) src(%dma_wait3A_185 : memref<2048xi32, #tpu.memory_space<hbm>>) dst(%dma_wait3A_183 : memref<2048xi32, #tpu.memory_space<vmem>>)
      %dma_wait3A_186 = arith.constant 2048 : i32
      %dma_wait3A_187 = tpu.memref_slice %arg10[%dma_wait3A_186] : memref<4096xi32, #tpu.memory_space<vmem>> -> memref<2048xi32, #tpu.memory_space<vmem>>
      %dma_wait3A_188 = arith.constant 0 : i32
      %dma_wait3A_189 = tpu.memref_slice %arg3[%dma_wait3A_188] : memref<8386560xi32, #tpu.memory_space<hbm>> -> memref<2048xi32, #tpu.memory_space<hbm>>
      %dma_wait3A_190 = arith.constant 2048 : i32
      %dma_wait3A_191 = tpu.memref_slice %arg10[%dma_wait3A_190] : memref<4096xi32, #tpu.memory_space<vmem>> -> memref<2048xi32, #tpu.memory_space<vmem>>
      %dma_wait3A_192 = arith.constant 0 : i32
      %dma_wait3A_193 = tpu.memref_slice %arg3[%dma_wait3A_192] : memref<8386560xi32, #tpu.memory_space<hbm>> -> memref<2048xi32, #tpu.memory_space<hbm>>
      tpu.wait_dma2 semaphore(%arg17 : memref<!tpu.dma_semaphore, #tpu.memory_space<semaphore_mem>>) src(%dma_wait3A_193 : memref<2048xi32, #tpu.memory_space<hbm>>) dst(%dma_wait3A_191 : memref<2048xi32, #tpu.memory_space<vmem>>)
      %dma_wait3A_194 = arith.constant 0 : i32
      %dma_wait3A_195 = tpu.memref_slice %arg5[%dma_wait3A_194] : memref<8386560xf32, #tpu.memory_space<hbm>> -> memref<2048xf32, #tpu.memory_space<hbm>>
      %dma_wait3A_196 = arith.constant 0 : i32
      %dma_wait3A_197 = tpu.memref_slice %arg5[%dma_wait3A_196] : memref<8386560xf32, #tpu.memory_space<hbm>> -> memref<2048xf32, #tpu.memory_space<hbm>>
      tpu.wait_dma2 semaphore(%arg17 : memref<!tpu.dma_semaphore, #tpu.memory_space<semaphore_mem>>) src(%dma_wait3A_197 : memref<2048xf32, #tpu.memory_space<hbm>>) dst(%arg13 : memref<2048xf32, #tpu.memory_space<vmem>>)
      %parallel_loop3A_198 = arith.constant 0 : i32
      %parallel_loop3A_199 = arith.constant 16 : i32
      %parallel_loop3A_200 = arith.constant 1 : i32
      %parallel_loop3A_201:8 = scf.for %parallel_loop3A_208 = %parallel_loop3A_198 to %parallel_loop3A_199 step %parallel_loop3A_200 iter_args(%parallel_loop3A_209 = %parallel_loop3A_167#0, %parallel_loop3A_210 = %parallel_loop3A_167#1, %parallel_loop3A_211 = %parallel_loop3A_167#2, %parallel_loop3A_212 = %parallel_loop3A_167#3, %parallel_loop3A_213 = %parallel_loop3A_167#4, %parallel_loop3A_214 = %parallel_loop3A_167#5, %parallel_loop3A_215 = %parallel_loop3A_167#6, %parallel_loop3A_216 = %parallel_loop3A_167#7) -> (vector<16xf32>, vector<16xf32>, vector<16xf32>, vector<16xf32>, vector<16xf32>, vector<16xf32>, vector<16xf32>, vector<16xf32>)  : i32 {
        %parallel_loop3A_217 = arith.constant 128 : i32
        %parallel_loop3A_218 = arith.muli %parallel_loop3A_208, %parallel_loop3A_217 : i32
        %parallel_loop3A_219 = arith.constant 0 : i32
        %parallel_loop3A_220 = arith.addi %parallel_loop3A_218, %parallel_loop3A_219 : i32
        %parallel_loop3A_221 = arith.index_cast %parallel_loop3A_220 : i32 to index
        %parallel_loop3A_222 = tpu.vector_load %arg10[%parallel_loop3A_221] {strides = array<i32>} : memref<4096xi32, #tpu.memory_space<vmem>>, vector<16xi32>,
        %parallel_loop3A_223 = arith.constant 2048 : i32
        %parallel_loop3A_224 = arith.addi %parallel_loop3A_223, %parallel_loop3A_220 : i32
        %parallel_loop3A_225 = arith.index_cast %parallel_loop3A_224 : i32 to index
        %parallel_loop3A_226 = tpu.vector_load %arg10[%parallel_loop3A_225] {strides = array<i32>} : memref<4096xi32, #tpu.memory_space<vmem>>, vector<16xi32>,
        %parallel_loop3A_227 = tpu.vector_load_idx %arg7[%parallel_loop3A_222] : memref<4096xf32, #tpu.memory_space<vmem>>[vector<16xi32>], vector<16xf32>,
        %parallel_loop3A_228 = tpu.vector_load_idx %arg7[%parallel_loop3A_226] : memref<4096xf32, #tpu.memory_space<vmem>>[vector<16xi32>], vector<16xf32>,
        %parallel_loop3A_229 = arith.index_cast %parallel_loop3A_220 : i32 to index
        %parallel_loop3A_230 = tpu.vector_load %arg13[%parallel_loop3A_229] {strides = array<i32>} : memref<2048xf32, #tpu.memory_space<vmem>>, vector<16xf32>,
        %parallel_loop3A_231 = arith.mulf %parallel_loop3A_227, %parallel_loop3A_228 : vector<16xf32>
        %parallel_loop3A_232 = arith.mulf %parallel_loop3A_231, %parallel_loop3A_230 : vector<16xf32>
        %parallel_loop3A_233 = arith.addf %parallel_loop3A_209, %parallel_loop3A_232 : vector<16xf32>
        %parallel_loop3A_234 = arith.constant 128 : i32
        %parallel_loop3A_235 = arith.muli %parallel_loop3A_208, %parallel_loop3A_234 : i32
        %parallel_loop3A_236 = arith.constant 16 : i32
        %parallel_loop3A_237 = arith.addi %parallel_loop3A_235, %parallel_loop3A_236 : i32
        %parallel_loop3A_238 = arith.index_cast %parallel_loop3A_237 : i32 to index
        %parallel_loop3A_239 = tpu.vector_load %arg10[%parallel_loop3A_238] {strides = array<i32>} : memref<4096xi32, #tpu.memory_space<vmem>>, vector<16xi32>,
        %parallel_loop3A_240 = arith.constant 2048 : i32
        %parallel_loop3A_241 = arith.addi %parallel_loop3A_240, %parallel_loop3A_237 : i32
        %parallel_loop3A_242 = arith.index_cast %parallel_loop3A_241 : i32 to index
        %parallel_loop3A_243 = tpu.vector_load %arg10[%parallel_loop3A_242] {strides = array<i32>} : memref<4096xi32, #tpu.memory_space<vmem>>, vector<16xi32>,
        %parallel_loop3A_244 = tpu.vector_load_idx %arg7[%parallel_loop3A_239] : memref<4096xf32, #tpu.memory_space<vmem>>[vector<16xi32>], vector<16xf32>,
        %parallel_loop3A_245 = tpu.vector_load_idx %arg7[%parallel_loop3A_243] : memref<4096xf32, #tpu.memory_space<vmem>>[vector<16xi32>], vector<16xf32>,
        %parallel_loop3A_246 = arith.index_cast %parallel_loop3A_237 : i32 to index
        %parallel_loop3A_247 = tpu.vector_load %arg13[%parallel_loop3A_246] {strides = array<i32>} : memref<2048xf32, #tpu.memory_space<vmem>>, vector<16xf32>,
        %parallel_loop3A_248 = arith.mulf %parallel_loop3A_244, %parallel_loop3A_245 : vector<16xf32>
        %parallel_loop3A_249 = arith.mulf %parallel_loop3A_248, %parallel_loop3A_247 : vector<16xf32>
        %parallel_loop3A_250 = arith.addf %parallel_loop3A_210, %parallel_loop3A_249 : vector<16xf32>
        %parallel_loop3A_251 = arith.constant 128 : i32
        %parallel_loop3A_252 = arith.muli %parallel_loop3A_208, %parallel_loop3A_251 : i32
        %parallel_loop3A_253 = arith.constant 32 : i32
        %parallel_loop3A_254 = arith.addi %parallel_loop3A_252, %parallel_loop3A_253 : i32
        %parallel_loop3A_255 = arith.index_cast %parallel_loop3A_254 : i32 to index
        %parallel_loop3A_256 = tpu.vector_load %arg10[%parallel_loop3A_255] {strides = array<i32>} : memref<4096xi32, #tpu.memory_space<vmem>>, vector<16xi32>,
        %parallel_loop3A_257 = arith.constant 2048 : i32
        %parallel_loop3A_258 = arith.addi %parallel_loop3A_257, %parallel_loop3A_254 : i32
        %parallel_loop3A_259 = arith.index_cast %parallel_loop3A_258 : i32 to index
        %parallel_loop3A_260 = tpu.vector_load %arg10[%parallel_loop3A_259] {strides = array<i32>} : memref<4096xi32, #tpu.memory_space<vmem>>, vector<16xi32>,
        %parallel_loop3A_261 = tpu.vector_load_idx %arg7[%parallel_loop3A_256] : memref<4096xf32, #tpu.memory_space<vmem>>[vector<16xi32>], vector<16xf32>,
        %parallel_loop3A_262 = tpu.vector_load_idx %arg7[%parallel_loop3A_260] : memref<4096xf32, #tpu.memory_space<vmem>>[vector<16xi32>], vector<16xf32>,
        %parallel_loop3A_263 = arith.index_cast %parallel_loop3A_254 : i32 to index
        %parallel_loop3A_264 = tpu.vector_load %arg13[%parallel_loop3A_263] {strides = array<i32>} : memref<2048xf32, #tpu.memory_space<vmem>>, vector<16xf32>,
        %parallel_loop3A_265 = arith.mulf %parallel_loop3A_261, %parallel_loop3A_262 : vector<16xf32>
        %parallel_loop3A_266 = arith.mulf %parallel_loop3A_265, %parallel_loop3A_264 : vector<16xf32>
        %parallel_loop3A_267 = arith.addf %parallel_loop3A_211, %parallel_loop3A_266 : vector<16xf32>
        %parallel_loop3A_268 = arith.constant 128 : i32
        %parallel_loop3A_269 = arith.muli %parallel_loop3A_208, %parallel_loop3A_268 : i32
        %parallel_loop3A_270 = arith.constant 48 : i32
        %parallel_loop3A_271 = arith.addi %parallel_loop3A_269, %parallel_loop3A_270 : i32
        %parallel_loop3A_272 = arith.index_cast %parallel_loop3A_271 : i32 to index
        %parallel_loop3A_273 = tpu.vector_load %arg10[%parallel_loop3A_272] {strides = array<i32>} : memref<4096xi32, #tpu.memory_space<vmem>>, vector<16xi32>,
        %parallel_loop3A_274 = arith.constant 2048 : i32
        %parallel_loop3A_275 = arith.addi %parallel_loop3A_274, %parallel_loop3A_271 : i32
        %parallel_loop3A_276 = arith.index_cast %parallel_loop3A_275 : i32 to index
        %parallel_loop3A_277 = tpu.vector_load %arg10[%parallel_loop3A_276] {strides = array<i32>} : memref<4096xi32, #tpu.memory_space<vmem>>, vector<16xi32>,
        %parallel_loop3A_278 = tpu.vector_load_idx %arg7[%parallel_loop3A_273] : memref<4096xf32, #tpu.memory_space<vmem>>[vector<16xi32>], vector<16xf32>,
        %parallel_loop3A_279 = tpu.vector_load_idx %arg7[%parallel_loop3A_277] : memref<4096xf32, #tpu.memory_space<vmem>>[vector<16xi32>], vector<16xf32>,
        %parallel_loop3A_280 = arith.index_cast %parallel_loop3A_271 : i32 to index
        %parallel_loop3A_281 = tpu.vector_load %arg13[%parallel_loop3A_280] {strides = array<i32>} : memref<2048xf32, #tpu.memory_space<vmem>>, vector<16xf32>,
        %parallel_loop3A_282 = arith.mulf %parallel_loop3A_278, %parallel_loop3A_279 : vector<16xf32>
        %parallel_loop3A_283 = arith.mulf %parallel_loop3A_282, %parallel_loop3A_281 : vector<16xf32>
        %parallel_loop3A_284 = arith.addf %parallel_loop3A_212, %parallel_loop3A_283 : vector<16xf32>
        %parallel_loop3A_285 = arith.constant 128 : i32
        %parallel_loop3A_286 = arith.muli %parallel_loop3A_208, %parallel_loop3A_285 : i32
        %parallel_loop3A_287 = arith.constant 64 : i32
        %parallel_loop3A_288 = arith.addi %parallel_loop3A_286, %parallel_loop3A_287 : i32
        %parallel_loop3A_289 = arith.index_cast %parallel_loop3A_288 : i32 to index
        %parallel_loop3A_290 = tpu.vector_load %arg10[%parallel_loop3A_289] {strides = array<i32>} : memref<4096xi32, #tpu.memory_space<vmem>>, vector<16xi32>,
        %parallel_loop3A_291 = arith.constant 2048 : i32
        %parallel_loop3A_292 = arith.addi %parallel_loop3A_291, %parallel_loop3A_288 : i32
        %parallel_loop3A_293 = arith.index_cast %parallel_loop3A_292 : i32 to index
        %parallel_loop3A_294 = tpu.vector_load %arg10[%parallel_loop3A_293] {strides = array<i32>} : memref<4096xi32, #tpu.memory_space<vmem>>, vector<16xi32>,
        %parallel_loop3A_295 = tpu.vector_load_idx %arg7[%parallel_loop3A_290] : memref<4096xf32, #tpu.memory_space<vmem>>[vector<16xi32>], vector<16xf32>,
        %parallel_loop3A_296 = tpu.vector_load_idx %arg7[%parallel_loop3A_294] : memref<4096xf32, #tpu.memory_space<vmem>>[vector<16xi32>], vector<16xf32>,
        %parallel_loop3A_297 = arith.index_cast %parallel_loop3A_288 : i32 to index
        %parallel_loop3A_298 = tpu.vector_load %arg13[%parallel_loop3A_297] {strides = array<i32>} : memref<2048xf32, #tpu.memory_space<vmem>>, vector<16xf32>,
        %parallel_loop3A_299 = arith.mulf %parallel_loop3A_295, %parallel_loop3A_296 : vector<16xf32>
        %parallel_loop3A_300 = arith.mulf %parallel_loop3A_299, %parallel_loop3A_298 : vector<16xf32>
        %parallel_loop3A_301 = arith.addf %parallel_loop3A_213, %parallel_loop3A_300 : vector<16xf32>
        %parallel_loop3A_302 = arith.constant 128 : i32
        %parallel_loop3A_303 = arith.muli %parallel_loop3A_208, %parallel_loop3A_302 : i32
        %parallel_loop3A_304 = arith.constant 80 : i32
        %parallel_loop3A_305 = arith.addi %parallel_loop3A_303, %parallel_loop3A_304 : i32
        %parallel_loop3A_306 = arith.index_cast %parallel_loop3A_305 : i32 to index
        %parallel_loop3A_307 = tpu.vector_load %arg10[%parallel_loop3A_306] {strides = array<i32>} : memref<4096xi32, #tpu.memory_space<vmem>>, vector<16xi32>,
        %parallel_loop3A_308 = arith.constant 2048 : i32
        %parallel_loop3A_309 = arith.addi %parallel_loop3A_308, %parallel_loop3A_305 : i32
        %parallel_loop3A_310 = arith.index_cast %parallel_loop3A_309 : i32 to index
        %parallel_loop3A_311 = tpu.vector_load %arg10[%parallel_loop3A_310] {strides = array<i32>} : memref<4096xi32, #tpu.memory_space<vmem>>, vector<16xi32>,
        %parallel_loop3A_312 = tpu.vector_load_idx %arg7[%parallel_loop3A_307] : memref<4096xf32, #tpu.memory_space<vmem>>[vector<16xi32>], vector<16xf32>,
        %parallel_loop3A_313 = tpu.vector_load_idx %arg7[%parallel_loop3A_311] : memref<4096xf32, #tpu.memory_space<vmem>>[vector<16xi32>], vector<16xf32>,
        %parallel_loop3A_314 = arith.index_cast %parallel_loop3A_305 : i32 to index
        %parallel_loop3A_315 = tpu.vector_load %arg13[%parallel_loop3A_314] {strides = array<i32>} : memref<2048xf32, #tpu.memory_space<vmem>>, vector<16xf32>,
        %parallel_loop3A_316 = arith.mulf %parallel_loop3A_312, %parallel_loop3A_313 : vector<16xf32>
        %parallel_loop3A_317 = arith.mulf %parallel_loop3A_316, %parallel_loop3A_315 : vector<16xf32>
        %parallel_loop3A_318 = arith.addf %parallel_loop3A_214, %parallel_loop3A_317 : vector<16xf32>
        %parallel_loop3A_319 = arith.constant 128 : i32
        %parallel_loop3A_320 = arith.muli %parallel_loop3A_208, %parallel_loop3A_319 : i32
        %parallel_loop3A_321 = arith.constant 96 : i32
        %parallel_loop3A_322 = arith.addi %parallel_loop3A_320, %parallel_loop3A_321 : i32
        %parallel_loop3A_323 = arith.index_cast %parallel_loop3A_322 : i32 to index
        %parallel_loop3A_324 = tpu.vector_load %arg10[%parallel_loop3A_323] {strides = array<i32>} : memref<4096xi32, #tpu.memory_space<vmem>>, vector<16xi32>,
        %parallel_loop3A_325 = arith.constant 2048 : i32
        %parallel_loop3A_326 = arith.addi %parallel_loop3A_325, %parallel_loop3A_322 : i32
        %parallel_loop3A_327 = arith.index_cast %parallel_loop3A_326 : i32 to index
        %parallel_loop3A_328 = tpu.vector_load %arg10[%parallel_loop3A_327] {strides = array<i32>} : memref<4096xi32, #tpu.memory_space<vmem>>, vector<16xi32>,
        %parallel_loop3A_329 = tpu.vector_load_idx %arg7[%parallel_loop3A_324] : memref<4096xf32, #tpu.memory_space<vmem>>[vector<16xi32>], vector<16xf32>,
        %parallel_loop3A_330 = tpu.vector_load_idx %arg7[%parallel_loop3A_328] : memref<4096xf32, #tpu.memory_space<vmem>>[vector<16xi32>], vector<16xf32>,
        %parallel_loop3A_331 = arith.index_cast %parallel_loop3A_322 : i32 to index
        %parallel_loop3A_332 = tpu.vector_load %arg13[%parallel_loop3A_331] {strides = array<i32>} : memref<2048xf32, #tpu.memory_space<vmem>>, vector<16xf32>,
        %parallel_loop3A_333 = arith.mulf %parallel_loop3A_329, %parallel_loop3A_330 : vector<16xf32>
        %parallel_loop3A_334 = arith.mulf %parallel_loop3A_333, %parallel_loop3A_332 : vector<16xf32>
        %parallel_loop3A_335 = arith.addf %parallel_loop3A_215, %parallel_loop3A_334 : vector<16xf32>
        %parallel_loop3A_336 = arith.constant 128 : i32
        %parallel_loop3A_337 = arith.muli %parallel_loop3A_208, %parallel_loop3A_336 : i32
        %parallel_loop3A_338 = arith.constant 112 : i32
        %parallel_loop3A_339 = arith.addi %parallel_loop3A_337, %parallel_loop3A_338 : i32
        %parallel_loop3A_340 = arith.index_cast %parallel_loop3A_339 : i32 to index
        %parallel_loop3A_341 = tpu.vector_load %arg10[%parallel_loop3A_340] {strides = array<i32>} : memref<4096xi32, #tpu.memory_space<vmem>>, vector<16xi32>,
        %parallel_loop3A_342 = arith.constant 2048 : i32
        %parallel_loop3A_343 = arith.addi %parallel_loop3A_342, %parallel_loop3A_339 : i32
        %parallel_loop3A_344 = arith.index_cast %parallel_loop3A_343 : i32 to index
        %parallel_loop3A_345 = tpu.vector_load %arg10[%parallel_loop3A_344] {strides = array<i32>} : memref<4096xi32, #tpu.memory_space<vmem>>, vector<16xi32>,
        %parallel_loop3A_346 = tpu.vector_load_idx %arg7[%parallel_loop3A_341] : memref<4096xf32, #tpu.memory_space<vmem>>[vector<16xi32>], vector<16xf32>,
        %parallel_loop3A_347 = tpu.vector_load_idx %arg7[%parallel_loop3A_345] : memref<4096xf32, #tpu.memory_space<vmem>>[vector<16xi32>], vector<16xf32>,
        %parallel_loop3A_348 = arith.index_cast %parallel_loop3A_339 : i32 to index
        %parallel_loop3A_349 = tpu.vector_load %arg13[%parallel_loop3A_348] {strides = array<i32>} : memref<2048xf32, #tpu.memory_space<vmem>>, vector<16xf32>,
        %parallel_loop3A_350 = arith.mulf %parallel_loop3A_346, %parallel_loop3A_347 : vector<16xf32>
        %parallel_loop3A_351 = arith.mulf %parallel_loop3A_350, %parallel_loop3A_349 : vector<16xf32>
        %parallel_loop3A_352 = arith.addf %parallel_loop3A_216, %parallel_loop3A_351 : vector<16xf32>
        scf.yield %parallel_loop3A_233, %parallel_loop3A_250, %parallel_loop3A_267, %parallel_loop3A_284, %parallel_loop3A_301, %parallel_loop3A_318, %parallel_loop3A_335, %parallel_loop3A_352 : vector<16xf32>, vector<16xf32>, vector<16xf32>, vector<16xf32>, vector<16xf32>, vector<16xf32>, vector<16xf32>, vector<16xf32>
      } {sc.loop_unroll_factor = 2 : i64, sc.parallel_access}
      %add3A_202 = arith.constant 3 : i32
      %add3A_203 = arith.addi %add3A_177, %add3A_202 : i32
      %lt3A_204 = arith.cmpi slt, %add3A_203, %min3A : i32
      %convert_element_type3A_205 = arith.extui %lt3A_204 : i1 to i32
      %cond3A_206 = arith.constant 0 : i32
      %cond3A_207 = arith.cmpi ne, %convert_element_type3A_205, %cond3A_206 : i32
      scf.if %cond3A_207 {
        %add3A_208 = arith.constant 3 : i32
        %add3A_209 = arith.addi %add3A_177, %add3A_208 : i32
        %add3A_210 = arith.addi %mul3A_2, %add3A_209 : i32
        %mul3A_211 = arith.constant 2048 : i32
        %mul3A_212 = arith.muli %add3A_210, %mul3A_211 : i32
        %dma_start3A_213 = arith.constant 0 : i32
        %dma_start3A_214 = tpu.memref_slice %arg10[%dma_start3A_213] : memref<4096xi32, #tpu.memory_space<vmem>> -> memref<2048xi32, #tpu.memory_space<vmem>>
        %dma_start3A_215 = tpu.memref_slice %arg3[%mul3A_212] : memref<8386560xi32, #tpu.memory_space<hbm>> -> memref<2048xi32, #tpu.memory_space<hbm>>
        %dma_start3A_216 = arith.constant 0 : i32
        %dma_start3A_217 = tpu.memref_slice %arg10[%dma_start3A_216] : memref<4096xi32, #tpu.memory_space<vmem>> -> memref<2048xi32, #tpu.memory_space<vmem>>
        %dma_start3A_218 = tpu.memref_slice %arg3[%mul3A_212] : memref<8386560xi32, #tpu.memory_space<hbm>> -> memref<2048xi32, #tpu.memory_space<hbm>>
        tpu.enqueue_dma source(%dma_start3A_218 : memref<2048xi32, #tpu.memory_space<hbm>>) target(%dma_start3A_217 : memref<2048xi32, #tpu.memory_space<vmem>>) target_semaphore(%arg17 : memref<!tpu.dma_semaphore, #tpu.memory_space<semaphore_mem>>)
        %dma_start3A_219 = arith.constant 2048 : i32
        %dma_start3A_220 = tpu.memref_slice %arg10[%dma_start3A_219] : memref<4096xi32, #tpu.memory_space<vmem>> -> memref<2048xi32, #tpu.memory_space<vmem>>
        %dma_start3A_221 = tpu.memref_slice %arg4[%mul3A_212] : memref<8386560xi32, #tpu.memory_space<hbm>> -> memref<2048xi32, #tpu.memory_space<hbm>>
        %dma_start3A_222 = arith.constant 2048 : i32
        %dma_start3A_223 = tpu.memref_slice %arg10[%dma_start3A_222] : memref<4096xi32, #tpu.memory_space<vmem>> -> memref<2048xi32, #tpu.memory_space<vmem>>
        %dma_start3A_224 = tpu.memref_slice %arg4[%mul3A_212] : memref<8386560xi32, #tpu.memory_space<hbm>> -> memref<2048xi32, #tpu.memory_space<hbm>>
        tpu.enqueue_dma source(%dma_start3A_224 : memref<2048xi32, #tpu.memory_space<hbm>>) target(%dma_start3A_223 : memref<2048xi32, #tpu.memory_space<vmem>>) target_semaphore(%arg17 : memref<!tpu.dma_semaphore, #tpu.memory_space<semaphore_mem>>)
        %dma_start3A_225 = tpu.memref_slice %arg5[%mul3A_212] : memref<8386560xf32, #tpu.memory_space<hbm>> -> memref<2048xf32, #tpu.memory_space<hbm>>
        %dma_start3A_226 = tpu.memref_slice %arg5[%mul3A_212] : memref<8386560xf32, #tpu.memory_space<hbm>> -> memref<2048xf32, #tpu.memory_space<hbm>>
        tpu.enqueue_dma source(%dma_start3A_226 : memref<2048xf32, #tpu.memory_space<hbm>>) target(%arg13 : memref<2048xf32, #tpu.memory_space<vmem>>) target_semaphore(%arg17 : memref<!tpu.dma_semaphore, #tpu.memory_space<semaphore_mem>>)
      } else {
      }
      scf.yield %parallel_loop3A_201#0, %parallel_loop3A_201#1, %parallel_loop3A_201#2, %parallel_loop3A_201#3, %parallel_loop3A_201#4, %parallel_loop3A_201#5, %parallel_loop3A_201#6, %parallel_loop3A_201#7 : vector<16xf32>, vector<16xf32>, vector<16xf32>, vector<16xf32>, vector<16xf32>, vector<16xf32>, vector<16xf32>, vector<16xf32>
    }
    %while3A_85 = arith.constant 1 : i32
    %while3A_86:8 = scf.for %while3A_102 = %while3A_82 to %while3A_78 step %while3A_85 iter_args(%while3A_103 = %while3A_84#0, %while3A_104 = %while3A_84#1, %while3A_105 = %while3A_84#2, %while3A_106 = %while3A_84#3, %while3A_107 = %while3A_84#4, %while3A_108 = %while3A_84#5, %while3A_109 = %while3A_84#6, %while3A_110 = %while3A_84#7) -> (vector<16xf32>, vector<16xf32>, vector<16xf32>, vector<16xf32>, vector<16xf32>, vector<16xf32>, vector<16xf32>, vector<16xf32>)  : i32 {
      %mul3A_111 = arith.constant 3 : i32
      %mul3A_112 = arith.muli %mul3A_111, %while3A_102 : i32
      %add3A_113 = arith.constant 0 : i32
      %add3A_114 = arith.addi %mul3A_112, %add3A_113 : i32
      %dma_wait3A = arith.constant 0 : i32
      %dma_wait3A_115 = tpu.memref_slice %arg8[%dma_wait3A] : memref<4096xi32, #tpu.memory_space<vmem>> -> memref<2048xi32, #tpu.memory_space<vmem>>
      %dma_wait3A_116 = arith.constant 0 : i32
      %dma_wait3A_117 = tpu.memref_slice %arg3[%dma_wait3A_116] : memref<8386560xi32, #tpu.memory_space<hbm>> -> memref<2048xi32, #tpu.memory_space<hbm>>
      %dma_wait3A_118 = arith.constant 0 : i32
      %dma_wait3A_119 = tpu.memref_slice %arg8[%dma_wait3A_118] : memref<4096xi32, #tpu.memory_space<vmem>> -> memref<2048xi32, #tpu.memory_space<vmem>>
      %dma_wait3A_120 = arith.constant 0 : i32
      %dma_wait3A_121 = tpu.memref_slice %arg3[%dma_wait3A_120] : memref<8386560xi32, #tpu.memory_space<hbm>> -> memref<2048xi32, #tpu.memory_space<hbm>>
      tpu.wait_dma2 semaphore(%arg15 : memref<!tpu.dma_semaphore, #tpu.memory_space<semaphore_mem>>) src(%dma_wait3A_121 : memref<2048xi32, #tpu.memory_space<hbm>>) dst(%dma_wait3A_119 : memref<2048xi32, #tpu.memory_space<vmem>>)
      %dma_wait3A_122 = arith.constant 2048 : i32
      %dma_wait3A_123 = tpu.memref_slice %arg8[%dma_wait3A_122] : memref<4096xi32, #tpu.memory_space<vmem>> -> memref<2048xi32, #tpu.memory_space<vmem>>
      %dma_wait3A_124 = arith.constant 0 : i32
      %dma_wait3A_125 = tpu.memref_slice %arg3[%dma_wait3A_124] : memref<8386560xi32, #tpu.memory_space<hbm>> -> memref<2048xi32, #tpu.memory_space<hbm>>
      %dma_wait3A_126 = arith.constant 2048 : i32
      %dma_wait3A_127 = tpu.memref_slice %arg8[%dma_wait3A_126] : memref<4096xi32, #tpu.memory_space<vmem>> -> memref<2048xi32, #tpu.memory_space<vmem>>
      %dma_wait3A_128 = arith.constant 0 : i32
      %dma_wait3A_129 = tpu.memref_slice %arg3[%dma_wait3A_128] : memref<8386560xi32, #tpu.memory_space<hbm>> -> memref<2048xi32, #tpu.memory_space<hbm>>
      tpu.wait_dma2 semaphore(%arg15 : memref<!tpu.dma_semaphore, #tpu.memory_space<semaphore_mem>>) src(%dma_wait3A_129 : memref<2048xi32, #tpu.memory_space<hbm>>) dst(%dma_wait3A_127 : memref<2048xi32, #tpu.memory_space<vmem>>)
      %dma_wait3A_130 = arith.constant 0 : i32
      %dma_wait3A_131 = tpu.memref_slice %arg5[%dma_wait3A_130] : memref<8386560xf32, #tpu.memory_space<hbm>> -> memref<2048xf32, #tpu.memory_space<hbm>>
      %dma_wait3A_132 = arith.constant 0 : i32
      %dma_wait3A_133 = tpu.memref_slice %arg5[%dma_wait3A_132] : memref<8386560xf32, #tpu.memory_space<hbm>> -> memref<2048xf32, #tpu.memory_space<hbm>>
      tpu.wait_dma2 semaphore(%arg15 : memref<!tpu.dma_semaphore, #tpu.memory_space<semaphore_mem>>) src(%dma_wait3A_133 : memref<2048xf32, #tpu.memory_space<hbm>>) dst(%arg11 : memref<2048xf32, #tpu.memory_space<vmem>>)
      %parallel_loop3A = arith.constant 0 : i32
      %parallel_loop3A_134 = arith.constant 16 : i32
      %parallel_loop3A_135 = arith.constant 1 : i32
      %parallel_loop3A_136:8 = scf.for %parallel_loop3A_208 = %parallel_loop3A to %parallel_loop3A_134 step %parallel_loop3A_135 iter_args(%parallel_loop3A_209 = %while3A_103, %parallel_loop3A_210 = %while3A_104, %parallel_loop3A_211 = %while3A_105, %parallel_loop3A_212 = %while3A_106, %parallel_loop3A_213 = %while3A_107, %parallel_loop3A_214 = %while3A_108, %parallel_loop3A_215 = %while3A_109, %parallel_loop3A_216 = %while3A_110) -> (vector<16xf32>, vector<16xf32>, vector<16xf32>, vector<16xf32>, vector<16xf32>, vector<16xf32>, vector<16xf32>, vector<16xf32>)  : i32 {
        %parallel_loop3A_217 = arith.constant 128 : i32
        %parallel_loop3A_218 = arith.muli %parallel_loop3A_208, %parallel_loop3A_217 : i32
        %parallel_loop3A_219 = arith.constant 0 : i32
        %parallel_loop3A_220 = arith.addi %parallel_loop3A_218, %parallel_loop3A_219 : i32
        %parallel_loop3A_221 = arith.index_cast %parallel_loop3A_220 : i32 to index
        %parallel_loop3A_222 = tpu.vector_load %arg8[%parallel_loop3A_221] {strides = array<i32>} : memref<4096xi32, #tpu.memory_space<vmem>>, vector<16xi32>,
        %parallel_loop3A_223 = arith.constant 2048 : i32
        %parallel_loop3A_224 = arith.addi %parallel_loop3A_223, %parallel_loop3A_220 : i32
        %parallel_loop3A_225 = arith.index_cast %parallel_loop3A_224 : i32 to index
        %parallel_loop3A_226 = tpu.vector_load %arg8[%parallel_loop3A_225] {strides = array<i32>} : memref<4096xi32, #tpu.memory_space<vmem>>, vector<16xi32>,
        %parallel_loop3A_227 = tpu.vector_load_idx %arg7[%parallel_loop3A_222] : memref<4096xf32, #tpu.memory_space<vmem>>[vector<16xi32>], vector<16xf32>,
        %parallel_loop3A_228 = tpu.vector_load_idx %arg7[%parallel_loop3A_226] : memref<4096xf32, #tpu.memory_space<vmem>>[vector<16xi32>], vector<16xf32>,
        %parallel_loop3A_229 = arith.index_cast %parallel_loop3A_220 : i32 to index
        %parallel_loop3A_230 = tpu.vector_load %arg11[%parallel_loop3A_229] {strides = array<i32>} : memref<2048xf32, #tpu.memory_space<vmem>>, vector<16xf32>,
        %parallel_loop3A_231 = arith.mulf %parallel_loop3A_227, %parallel_loop3A_228 : vector<16xf32>
        %parallel_loop3A_232 = arith.mulf %parallel_loop3A_231, %parallel_loop3A_230 : vector<16xf32>
        %parallel_loop3A_233 = arith.addf %parallel_loop3A_209, %parallel_loop3A_232 : vector<16xf32>
        %parallel_loop3A_234 = arith.constant 128 : i32
        %parallel_loop3A_235 = arith.muli %parallel_loop3A_208, %parallel_loop3A_234 : i32
        %parallel_loop3A_236 = arith.constant 16 : i32
        %parallel_loop3A_237 = arith.addi %parallel_loop3A_235, %parallel_loop3A_236 : i32
        %parallel_loop3A_238 = arith.index_cast %parallel_loop3A_237 : i32 to index
        %parallel_loop3A_239 = tpu.vector_load %arg8[%parallel_loop3A_238] {strides = array<i32>} : memref<4096xi32, #tpu.memory_space<vmem>>, vector<16xi32>,
        %parallel_loop3A_240 = arith.constant 2048 : i32
        %parallel_loop3A_241 = arith.addi %parallel_loop3A_240, %parallel_loop3A_237 : i32
        %parallel_loop3A_242 = arith.index_cast %parallel_loop3A_241 : i32 to index
        %parallel_loop3A_243 = tpu.vector_load %arg8[%parallel_loop3A_242] {strides = array<i32>} : memref<4096xi32, #tpu.memory_space<vmem>>, vector<16xi32>,
        %parallel_loop3A_244 = tpu.vector_load_idx %arg7[%parallel_loop3A_239] : memref<4096xf32, #tpu.memory_space<vmem>>[vector<16xi32>], vector<16xf32>,
        %parallel_loop3A_245 = tpu.vector_load_idx %arg7[%parallel_loop3A_243] : memref<4096xf32, #tpu.memory_space<vmem>>[vector<16xi32>], vector<16xf32>,
        %parallel_loop3A_246 = arith.index_cast %parallel_loop3A_237 : i32 to index
        %parallel_loop3A_247 = tpu.vector_load %arg11[%parallel_loop3A_246] {strides = array<i32>} : memref<2048xf32, #tpu.memory_space<vmem>>, vector<16xf32>,
        %parallel_loop3A_248 = arith.mulf %parallel_loop3A_244, %parallel_loop3A_245 : vector<16xf32>
        %parallel_loop3A_249 = arith.mulf %parallel_loop3A_248, %parallel_loop3A_247 : vector<16xf32>
        %parallel_loop3A_250 = arith.addf %parallel_loop3A_210, %parallel_loop3A_249 : vector<16xf32>
        %parallel_loop3A_251 = arith.constant 128 : i32
        %parallel_loop3A_252 = arith.muli %parallel_loop3A_208, %parallel_loop3A_251 : i32
        %parallel_loop3A_253 = arith.constant 32 : i32
        %parallel_loop3A_254 = arith.addi %parallel_loop3A_252, %parallel_loop3A_253 : i32
        %parallel_loop3A_255 = arith.index_cast %parallel_loop3A_254 : i32 to index
        %parallel_loop3A_256 = tpu.vector_load %arg8[%parallel_loop3A_255] {strides = array<i32>} : memref<4096xi32, #tpu.memory_space<vmem>>, vector<16xi32>,
        %parallel_loop3A_257 = arith.constant 2048 : i32
        %parallel_loop3A_258 = arith.addi %parallel_loop3A_257, %parallel_loop3A_254 : i32
        %parallel_loop3A_259 = arith.index_cast %parallel_loop3A_258 : i32 to index
        %parallel_loop3A_260 = tpu.vector_load %arg8[%parallel_loop3A_259] {strides = array<i32>} : memref<4096xi32, #tpu.memory_space<vmem>>, vector<16xi32>,
        %parallel_loop3A_261 = tpu.vector_load_idx %arg7[%parallel_loop3A_256] : memref<4096xf32, #tpu.memory_space<vmem>>[vector<16xi32>], vector<16xf32>,
        %parallel_loop3A_262 = tpu.vector_load_idx %arg7[%parallel_loop3A_260] : memref<4096xf32, #tpu.memory_space<vmem>>[vector<16xi32>], vector<16xf32>,
        %parallel_loop3A_263 = arith.index_cast %parallel_loop3A_254 : i32 to index
        %parallel_loop3A_264 = tpu.vector_load %arg11[%parallel_loop3A_263] {strides = array<i32>} : memref<2048xf32, #tpu.memory_space<vmem>>, vector<16xf32>,
        %parallel_loop3A_265 = arith.mulf %parallel_loop3A_261, %parallel_loop3A_262 : vector<16xf32>
        %parallel_loop3A_266 = arith.mulf %parallel_loop3A_265, %parallel_loop3A_264 : vector<16xf32>
        %parallel_loop3A_267 = arith.addf %parallel_loop3A_211, %parallel_loop3A_266 : vector<16xf32>
        %parallel_loop3A_268 = arith.constant 128 : i32
        %parallel_loop3A_269 = arith.muli %parallel_loop3A_208, %parallel_loop3A_268 : i32
        %parallel_loop3A_270 = arith.constant 48 : i32
        %parallel_loop3A_271 = arith.addi %parallel_loop3A_269, %parallel_loop3A_270 : i32
        %parallel_loop3A_272 = arith.index_cast %parallel_loop3A_271 : i32 to index
        %parallel_loop3A_273 = tpu.vector_load %arg8[%parallel_loop3A_272] {strides = array<i32>} : memref<4096xi32, #tpu.memory_space<vmem>>, vector<16xi32>,
        %parallel_loop3A_274 = arith.constant 2048 : i32
        %parallel_loop3A_275 = arith.addi %parallel_loop3A_274, %parallel_loop3A_271 : i32
        %parallel_loop3A_276 = arith.index_cast %parallel_loop3A_275 : i32 to index
        %parallel_loop3A_277 = tpu.vector_load %arg8[%parallel_loop3A_276] {strides = array<i32>} : memref<4096xi32, #tpu.memory_space<vmem>>, vector<16xi32>,
        %parallel_loop3A_278 = tpu.vector_load_idx %arg7[%parallel_loop3A_273] : memref<4096xf32, #tpu.memory_space<vmem>>[vector<16xi32>], vector<16xf32>,
        %parallel_loop3A_279 = tpu.vector_load_idx %arg7[%parallel_loop3A_277] : memref<4096xf32, #tpu.memory_space<vmem>>[vector<16xi32>], vector<16xf32>,
        %parallel_loop3A_280 = arith.index_cast %parallel_loop3A_271 : i32 to index
        %parallel_loop3A_281 = tpu.vector_load %arg11[%parallel_loop3A_280] {strides = array<i32>} : memref<2048xf32, #tpu.memory_space<vmem>>, vector<16xf32>,
        %parallel_loop3A_282 = arith.mulf %parallel_loop3A_278, %parallel_loop3A_279 : vector<16xf32>
        %parallel_loop3A_283 = arith.mulf %parallel_loop3A_282, %parallel_loop3A_281 : vector<16xf32>
        %parallel_loop3A_284 = arith.addf %parallel_loop3A_212, %parallel_loop3A_283 : vector<16xf32>
        %parallel_loop3A_285 = arith.constant 128 : i32
        %parallel_loop3A_286 = arith.muli %parallel_loop3A_208, %parallel_loop3A_285 : i32
        %parallel_loop3A_287 = arith.constant 64 : i32
        %parallel_loop3A_288 = arith.addi %parallel_loop3A_286, %parallel_loop3A_287 : i32
        %parallel_loop3A_289 = arith.index_cast %parallel_loop3A_288 : i32 to index
        %parallel_loop3A_290 = tpu.vector_load %arg8[%parallel_loop3A_289] {strides = array<i32>} : memref<4096xi32, #tpu.memory_space<vmem>>, vector<16xi32>,
        %parallel_loop3A_291 = arith.constant 2048 : i32
        %parallel_loop3A_292 = arith.addi %parallel_loop3A_291, %parallel_loop3A_288 : i32
        %parallel_loop3A_293 = arith.index_cast %parallel_loop3A_292 : i32 to index
        %parallel_loop3A_294 = tpu.vector_load %arg8[%parallel_loop3A_293] {strides = array<i32>} : memref<4096xi32, #tpu.memory_space<vmem>>, vector<16xi32>,
        %parallel_loop3A_295 = tpu.vector_load_idx %arg7[%parallel_loop3A_290] : memref<4096xf32, #tpu.memory_space<vmem>>[vector<16xi32>], vector<16xf32>,
        %parallel_loop3A_296 = tpu.vector_load_idx %arg7[%parallel_loop3A_294] : memref<4096xf32, #tpu.memory_space<vmem>>[vector<16xi32>], vector<16xf32>,
        %parallel_loop3A_297 = arith.index_cast %parallel_loop3A_288 : i32 to index
        %parallel_loop3A_298 = tpu.vector_load %arg11[%parallel_loop3A_297] {strides = array<i32>} : memref<2048xf32, #tpu.memory_space<vmem>>, vector<16xf32>,
        %parallel_loop3A_299 = arith.mulf %parallel_loop3A_295, %parallel_loop3A_296 : vector<16xf32>
        %parallel_loop3A_300 = arith.mulf %parallel_loop3A_299, %parallel_loop3A_298 : vector<16xf32>
        %parallel_loop3A_301 = arith.addf %parallel_loop3A_213, %parallel_loop3A_300 : vector<16xf32>
        %parallel_loop3A_302 = arith.constant 128 : i32
        %parallel_loop3A_303 = arith.muli %parallel_loop3A_208, %parallel_loop3A_302 : i32
        %parallel_loop3A_304 = arith.constant 80 : i32
        %parallel_loop3A_305 = arith.addi %parallel_loop3A_303, %parallel_loop3A_304 : i32
        %parallel_loop3A_306 = arith.index_cast %parallel_loop3A_305 : i32 to index
        %parallel_loop3A_307 = tpu.vector_load %arg8[%parallel_loop3A_306] {strides = array<i32>} : memref<4096xi32, #tpu.memory_space<vmem>>, vector<16xi32>,
        %parallel_loop3A_308 = arith.constant 2048 : i32
        %parallel_loop3A_309 = arith.addi %parallel_loop3A_308, %parallel_loop3A_305 : i32
        %parallel_loop3A_310 = arith.index_cast %parallel_loop3A_309 : i32 to index
        %parallel_loop3A_311 = tpu.vector_load %arg8[%parallel_loop3A_310] {strides = array<i32>} : memref<4096xi32, #tpu.memory_space<vmem>>, vector<16xi32>,
        %parallel_loop3A_312 = tpu.vector_load_idx %arg7[%parallel_loop3A_307] : memref<4096xf32, #tpu.memory_space<vmem>>[vector<16xi32>], vector<16xf32>,
        %parallel_loop3A_313 = tpu.vector_load_idx %arg7[%parallel_loop3A_311] : memref<4096xf32, #tpu.memory_space<vmem>>[vector<16xi32>], vector<16xf32>,
        %parallel_loop3A_314 = arith.index_cast %parallel_loop3A_305 : i32 to index
        %parallel_loop3A_315 = tpu.vector_load %arg11[%parallel_loop3A_314] {strides = array<i32>} : memref<2048xf32, #tpu.memory_space<vmem>>, vector<16xf32>,
        %parallel_loop3A_316 = arith.mulf %parallel_loop3A_312, %parallel_loop3A_313 : vector<16xf32>
        %parallel_loop3A_317 = arith.mulf %parallel_loop3A_316, %parallel_loop3A_315 : vector<16xf32>
        %parallel_loop3A_318 = arith.addf %parallel_loop3A_214, %parallel_loop3A_317 : vector<16xf32>
        %parallel_loop3A_319 = arith.constant 128 : i32
        %parallel_loop3A_320 = arith.muli %parallel_loop3A_208, %parallel_loop3A_319 : i32
        %parallel_loop3A_321 = arith.constant 96 : i32
        %parallel_loop3A_322 = arith.addi %parallel_loop3A_320, %parallel_loop3A_321 : i32
        %parallel_loop3A_323 = arith.index_cast %parallel_loop3A_322 : i32 to index
        %parallel_loop3A_324 = tpu.vector_load %arg8[%parallel_loop3A_323] {strides = array<i32>} : memref<4096xi32, #tpu.memory_space<vmem>>, vector<16xi32>,
        %parallel_loop3A_325 = arith.constant 2048 : i32
        %parallel_loop3A_326 = arith.addi %parallel_loop3A_325, %parallel_loop3A_322 : i32
        %parallel_loop3A_327 = arith.index_cast %parallel_loop3A_326 : i32 to index
        %parallel_loop3A_328 = tpu.vector_load %arg8[%parallel_loop3A_327] {strides = array<i32>} : memref<4096xi32, #tpu.memory_space<vmem>>, vector<16xi32>,
        %parallel_loop3A_329 = tpu.vector_load_idx %arg7[%parallel_loop3A_324] : memref<4096xf32, #tpu.memory_space<vmem>>[vector<16xi32>], vector<16xf32>,
        %parallel_loop3A_330 = tpu.vector_load_idx %arg7[%parallel_loop3A_328] : memref<4096xf32, #tpu.memory_space<vmem>>[vector<16xi32>], vector<16xf32>,
        %parallel_loop3A_331 = arith.index_cast %parallel_loop3A_322 : i32 to index
        %parallel_loop3A_332 = tpu.vector_load %arg11[%parallel_loop3A_331] {strides = array<i32>} : memref<2048xf32, #tpu.memory_space<vmem>>, vector<16xf32>,
        %parallel_loop3A_333 = arith.mulf %parallel_loop3A_329, %parallel_loop3A_330 : vector<16xf32>
        %parallel_loop3A_334 = arith.mulf %parallel_loop3A_333, %parallel_loop3A_332 : vector<16xf32>
        %parallel_loop3A_335 = arith.addf %parallel_loop3A_215, %parallel_loop3A_334 : vector<16xf32>
        %parallel_loop3A_336 = arith.constant 128 : i32
        %parallel_loop3A_337 = arith.muli %parallel_loop3A_208, %parallel_loop3A_336 : i32
        %parallel_loop3A_338 = arith.constant 112 : i32
        %parallel_loop3A_339 = arith.addi %parallel_loop3A_337, %parallel_loop3A_338 : i32
        %parallel_loop3A_340 = arith.index_cast %parallel_loop3A_339 : i32 to index
        %parallel_loop3A_341 = tpu.vector_load %arg8[%parallel_loop3A_340] {strides = array<i32>} : memref<4096xi32, #tpu.memory_space<vmem>>, vector<16xi32>,
        %parallel_loop3A_342 = arith.constant 2048 : i32
        %parallel_loop3A_343 = arith.addi %parallel_loop3A_342, %parallel_loop3A_339 : i32
        %parallel_loop3A_344 = arith.index_cast %parallel_loop3A_343 : i32 to index
        %parallel_loop3A_345 = tpu.vector_load %arg8[%parallel_loop3A_344] {strides = array<i32>} : memref<4096xi32, #tpu.memory_space<vmem>>, vector<16xi32>,
        %parallel_loop3A_346 = tpu.vector_load_idx %arg7[%parallel_loop3A_341] : memref<4096xf32, #tpu.memory_space<vmem>>[vector<16xi32>], vector<16xf32>,
        %parallel_loop3A_347 = tpu.vector_load_idx %arg7[%parallel_loop3A_345] : memref<4096xf32, #tpu.memory_space<vmem>>[vector<16xi32>], vector<16xf32>,
        %parallel_loop3A_348 = arith.index_cast %parallel_loop3A_339 : i32 to index
        %parallel_loop3A_349 = tpu.vector_load %arg11[%parallel_loop3A_348] {strides = array<i32>} : memref<2048xf32, #tpu.memory_space<vmem>>, vector<16xf32>,
        %parallel_loop3A_350 = arith.mulf %parallel_loop3A_346, %parallel_loop3A_347 : vector<16xf32>
        %parallel_loop3A_351 = arith.mulf %parallel_loop3A_350, %parallel_loop3A_349 : vector<16xf32>
        %parallel_loop3A_352 = arith.addf %parallel_loop3A_216, %parallel_loop3A_351 : vector<16xf32>
        scf.yield %parallel_loop3A_233, %parallel_loop3A_250, %parallel_loop3A_267, %parallel_loop3A_284, %parallel_loop3A_301, %parallel_loop3A_318, %parallel_loop3A_335, %parallel_loop3A_352 : vector<16xf32>, vector<16xf32>, vector<16xf32>, vector<16xf32>, vector<16xf32>, vector<16xf32>, vector<16xf32>, vector<16xf32>
      } {sc.loop_unroll_factor = 2 : i64, sc.parallel_access}
      %add3A_137 = arith.constant 3 : i32
      %add3A_138 = arith.addi %add3A_114, %add3A_137 : i32
      %lt3A = arith.cmpi slt, %add3A_138, %min3A : i32
      %convert_element_type3A = arith.extui %lt3A : i1 to i32
      %cond3A = arith.constant 0 : i32
      %cond3A_139 = arith.cmpi ne, %convert_element_type3A, %cond3A : i32
      scf.if %cond3A_139 {
        %add3A_208 = arith.constant 3 : i32
        %add3A_209 = arith.addi %add3A_114, %add3A_208 : i32
        %add3A_210 = arith.addi %mul3A_2, %add3A_209 : i32
        %mul3A_211 = arith.constant 2048 : i32
        %mul3A_212 = arith.muli %add3A_210, %mul3A_211 : i32
        %dma_start3A_213 = arith.constant 0 : i32
        %dma_start3A_214 = tpu.memref_slice %arg8[%dma_start3A_213] : memref<4096xi32, #tpu.memory_space<vmem>> -> memref<2048xi32, #tpu.memory_space<vmem>>
        %dma_start3A_215 = tpu.memref_slice %arg3[%mul3A_212] : memref<8386560xi32, #tpu.memory_space<hbm>> -> memref<2048xi32, #tpu.memory_space<hbm>>
        %dma_start3A_216 = arith.constant 0 : i32
        %dma_start3A_217 = tpu.memref_slice %arg8[%dma_start3A_216] : memref<4096xi32, #tpu.memory_space<vmem>> -> memref<2048xi32, #tpu.memory_space<vmem>>
        %dma_start3A_218 = tpu.memref_slice %arg3[%mul3A_212] : memref<8386560xi32, #tpu.memory_space<hbm>> -> memref<2048xi32, #tpu.memory_space<hbm>>
        tpu.enqueue_dma source(%dma_start3A_218 : memref<2048xi32, #tpu.memory_space<hbm>>) target(%dma_start3A_217 : memref<2048xi32, #tpu.memory_space<vmem>>) target_semaphore(%arg15 : memref<!tpu.dma_semaphore, #tpu.memory_space<semaphore_mem>>)
        %dma_start3A_219 = arith.constant 2048 : i32
        %dma_start3A_220 = tpu.memref_slice %arg8[%dma_start3A_219] : memref<4096xi32, #tpu.memory_space<vmem>> -> memref<2048xi32, #tpu.memory_space<vmem>>
        %dma_start3A_221 = tpu.memref_slice %arg4[%mul3A_212] : memref<8386560xi32, #tpu.memory_space<hbm>> -> memref<2048xi32, #tpu.memory_space<hbm>>
        %dma_start3A_222 = arith.constant 2048 : i32
        %dma_start3A_223 = tpu.memref_slice %arg8[%dma_start3A_222] : memref<4096xi32, #tpu.memory_space<vmem>> -> memref<2048xi32, #tpu.memory_space<vmem>>
        %dma_start3A_224 = tpu.memref_slice %arg4[%mul3A_212] : memref<8386560xi32, #tpu.memory_space<hbm>> -> memref<2048xi32, #tpu.memory_space<hbm>>
        tpu.enqueue_dma source(%dma_start3A_224 : memref<2048xi32, #tpu.memory_space<hbm>>) target(%dma_start3A_223 : memref<2048xi32, #tpu.memory_space<vmem>>) target_semaphore(%arg15 : memref<!tpu.dma_semaphore, #tpu.memory_space<semaphore_mem>>)
        %dma_start3A_225 = tpu.memref_slice %arg5[%mul3A_212] : memref<8386560xf32, #tpu.memory_space<hbm>> -> memref<2048xf32, #tpu.memory_space<hbm>>
        %dma_start3A_226 = tpu.memref_slice %arg5[%mul3A_212] : memref<8386560xf32, #tpu.memory_space<hbm>> -> memref<2048xf32, #tpu.memory_space<hbm>>
        tpu.enqueue_dma source(%dma_start3A_226 : memref<2048xf32, #tpu.memory_space<hbm>>) target(%arg11 : memref<2048xf32, #tpu.memory_space<vmem>>) target_semaphore(%arg15 : memref<!tpu.dma_semaphore, #tpu.memory_space<semaphore_mem>>)
      } else {
      }
      %mul3A_140 = arith.constant 3 : i32
      %mul3A_141 = arith.muli %mul3A_140, %while3A_102 : i32
      %add3A_142 = arith.constant 1 : i32
      %add3A_143 = arith.addi %mul3A_141, %add3A_142 : i32
      %dma_wait3A_144 = arith.constant 0 : i32
      %dma_wait3A_145 = tpu.memref_slice %arg9[%dma_wait3A_144] : memref<4096xi32, #tpu.memory_space<vmem>> -> memref<2048xi32, #tpu.memory_space<vmem>>
      %dma_wait3A_146 = arith.constant 0 : i32
      %dma_wait3A_147 = tpu.memref_slice %arg3[%dma_wait3A_146] : memref<8386560xi32, #tpu.memory_space<hbm>> -> memref<2048xi32, #tpu.memory_space<hbm>>
      %dma_wait3A_148 = arith.constant 0 : i32
      %dma_wait3A_149 = tpu.memref_slice %arg9[%dma_wait3A_148] : memref<4096xi32, #tpu.memory_space<vmem>> -> memref<2048xi32, #tpu.memory_space<vmem>>
      %dma_wait3A_150 = arith.constant 0 : i32
      %dma_wait3A_151 = tpu.memref_slice %arg3[%dma_wait3A_150] : memref<8386560xi32, #tpu.memory_space<hbm>> -> memref<2048xi32, #tpu.memory_space<hbm>>
      tpu.wait_dma2 semaphore(%arg16 : memref<!tpu.dma_semaphore, #tpu.memory_space<semaphore_mem>>) src(%dma_wait3A_151 : memref<2048xi32, #tpu.memory_space<hbm>>) dst(%dma_wait3A_149 : memref<2048xi32, #tpu.memory_space<vmem>>)
      %dma_wait3A_152 = arith.constant 2048 : i32
      %dma_wait3A_153 = tpu.memref_slice %arg9[%dma_wait3A_152] : memref<4096xi32, #tpu.memory_space<vmem>> -> memref<2048xi32, #tpu.memory_space<vmem>>
      %dma_wait3A_154 = arith.constant 0 : i32
      %dma_wait3A_155 = tpu.memref_slice %arg3[%dma_wait3A_154] : memref<8386560xi32, #tpu.memory_space<hbm>> -> memref<2048xi32, #tpu.memory_space<hbm>>
      %dma_wait3A_156 = arith.constant 2048 : i32
      %dma_wait3A_157 = tpu.memref_slice %arg9[%dma_wait3A_156] : memref<4096xi32, #tpu.memory_space<vmem>> -> memref<2048xi32, #tpu.memory_space<vmem>>
      %dma_wait3A_158 = arith.constant 0 : i32
      %dma_wait3A_159 = tpu.memref_slice %arg3[%dma_wait3A_158] : memref<8386560xi32, #tpu.memory_space<hbm>> -> memref<2048xi32, #tpu.memory_space<hbm>>
      tpu.wait_dma2 semaphore(%arg16 : memref<!tpu.dma_semaphore, #tpu.memory_space<semaphore_mem>>) src(%dma_wait3A_159 : memref<2048xi32, #tpu.memory_space<hbm>>) dst(%dma_wait3A_157 : memref<2048xi32, #tpu.memory_space<vmem>>)
      %dma_wait3A_160 = arith.constant 0 : i32
      %dma_wait3A_161 = tpu.memref_slice %arg5[%dma_wait3A_160] : memref<8386560xf32, #tpu.memory_space<hbm>> -> memref<2048xf32, #tpu.memory_space<hbm>>
      %dma_wait3A_162 = arith.constant 0 : i32
      %dma_wait3A_163 = tpu.memref_slice %arg5[%dma_wait3A_162] : memref<8386560xf32, #tpu.memory_space<hbm>> -> memref<2048xf32, #tpu.memory_space<hbm>>
      tpu.wait_dma2 semaphore(%arg16 : memref<!tpu.dma_semaphore, #tpu.memory_space<semaphore_mem>>) src(%dma_wait3A_163 : memref<2048xf32, #tpu.memory_space<hbm>>) dst(%arg12 : memref<2048xf32, #tpu.memory_space<vmem>>)
      %parallel_loop3A_164 = arith.constant 0 : i32
      %parallel_loop3A_165 = arith.constant 16 : i32
      %parallel_loop3A_166 = arith.constant 1 : i32
      %parallel_loop3A_167:8 = scf.for %parallel_loop3A_208 = %parallel_loop3A_164 to %parallel_loop3A_165 step %parallel_loop3A_166 iter_args(%parallel_loop3A_209 = %parallel_loop3A_136#0, %parallel_loop3A_210 = %parallel_loop3A_136#1, %parallel_loop3A_211 = %parallel_loop3A_136#2, %parallel_loop3A_212 = %parallel_loop3A_136#3, %parallel_loop3A_213 = %parallel_loop3A_136#4, %parallel_loop3A_214 = %parallel_loop3A_136#5, %parallel_loop3A_215 = %parallel_loop3A_136#6, %parallel_loop3A_216 = %parallel_loop3A_136#7) -> (vector<16xf32>, vector<16xf32>, vector<16xf32>, vector<16xf32>, vector<16xf32>, vector<16xf32>, vector<16xf32>, vector<16xf32>)  : i32 {
        %parallel_loop3A_217 = arith.constant 128 : i32
        %parallel_loop3A_218 = arith.muli %parallel_loop3A_208, %parallel_loop3A_217 : i32
        %parallel_loop3A_219 = arith.constant 0 : i32
        %parallel_loop3A_220 = arith.addi %parallel_loop3A_218, %parallel_loop3A_219 : i32
        %parallel_loop3A_221 = arith.index_cast %parallel_loop3A_220 : i32 to index
        %parallel_loop3A_222 = tpu.vector_load %arg9[%parallel_loop3A_221] {strides = array<i32>} : memref<4096xi32, #tpu.memory_space<vmem>>, vector<16xi32>,
        %parallel_loop3A_223 = arith.constant 2048 : i32
        %parallel_loop3A_224 = arith.addi %parallel_loop3A_223, %parallel_loop3A_220 : i32
        %parallel_loop3A_225 = arith.index_cast %parallel_loop3A_224 : i32 to index
        %parallel_loop3A_226 = tpu.vector_load %arg9[%parallel_loop3A_225] {strides = array<i32>} : memref<4096xi32, #tpu.memory_space<vmem>>, vector<16xi32>,
        %parallel_loop3A_227 = tpu.vector_load_idx %arg7[%parallel_loop3A_222] : memref<4096xf32, #tpu.memory_space<vmem>>[vector<16xi32>], vector<16xf32>,
        %parallel_loop3A_228 = tpu.vector_load_idx %arg7[%parallel_loop3A_226] : memref<4096xf32, #tpu.memory_space<vmem>>[vector<16xi32>], vector<16xf32>,
        %parallel_loop3A_229 = arith.index_cast %parallel_loop3A_220 : i32 to index
        %parallel_loop3A_230 = tpu.vector_load %arg12[%parallel_loop3A_229] {strides = array<i32>} : memref<2048xf32, #tpu.memory_space<vmem>>, vector<16xf32>,
        %parallel_loop3A_231 = arith.mulf %parallel_loop3A_227, %parallel_loop3A_228 : vector<16xf32>
        %parallel_loop3A_232 = arith.mulf %parallel_loop3A_231, %parallel_loop3A_230 : vector<16xf32>
        %parallel_loop3A_233 = arith.addf %parallel_loop3A_209, %parallel_loop3A_232 : vector<16xf32>
        %parallel_loop3A_234 = arith.constant 128 : i32
        %parallel_loop3A_235 = arith.muli %parallel_loop3A_208, %parallel_loop3A_234 : i32
        %parallel_loop3A_236 = arith.constant 16 : i32
        %parallel_loop3A_237 = arith.addi %parallel_loop3A_235, %parallel_loop3A_236 : i32
        %parallel_loop3A_238 = arith.index_cast %parallel_loop3A_237 : i32 to index
        %parallel_loop3A_239 = tpu.vector_load %arg9[%parallel_loop3A_238] {strides = array<i32>} : memref<4096xi32, #tpu.memory_space<vmem>>, vector<16xi32>,
        %parallel_loop3A_240 = arith.constant 2048 : i32
        %parallel_loop3A_241 = arith.addi %parallel_loop3A_240, %parallel_loop3A_237 : i32
        %parallel_loop3A_242 = arith.index_cast %parallel_loop3A_241 : i32 to index
        %parallel_loop3A_243 = tpu.vector_load %arg9[%parallel_loop3A_242] {strides = array<i32>} : memref<4096xi32, #tpu.memory_space<vmem>>, vector<16xi32>,
        %parallel_loop3A_244 = tpu.vector_load_idx %arg7[%parallel_loop3A_239] : memref<4096xf32, #tpu.memory_space<vmem>>[vector<16xi32>], vector<16xf32>,
        %parallel_loop3A_245 = tpu.vector_load_idx %arg7[%parallel_loop3A_243] : memref<4096xf32, #tpu.memory_space<vmem>>[vector<16xi32>], vector<16xf32>,
        %parallel_loop3A_246 = arith.index_cast %parallel_loop3A_237 : i32 to index
        %parallel_loop3A_247 = tpu.vector_load %arg12[%parallel_loop3A_246] {strides = array<i32>} : memref<2048xf32, #tpu.memory_space<vmem>>, vector<16xf32>,
        %parallel_loop3A_248 = arith.mulf %parallel_loop3A_244, %parallel_loop3A_245 : vector<16xf32>
        %parallel_loop3A_249 = arith.mulf %parallel_loop3A_248, %parallel_loop3A_247 : vector<16xf32>
        %parallel_loop3A_250 = arith.addf %parallel_loop3A_210, %parallel_loop3A_249 : vector<16xf32>
        %parallel_loop3A_251 = arith.constant 128 : i32
        %parallel_loop3A_252 = arith.muli %parallel_loop3A_208, %parallel_loop3A_251 : i32
        %parallel_loop3A_253 = arith.constant 32 : i32
        %parallel_loop3A_254 = arith.addi %parallel_loop3A_252, %parallel_loop3A_253 : i32
        %parallel_loop3A_255 = arith.index_cast %parallel_loop3A_254 : i32 to index
        %parallel_loop3A_256 = tpu.vector_load %arg9[%parallel_loop3A_255] {strides = array<i32>} : memref<4096xi32, #tpu.memory_space<vmem>>, vector<16xi32>,
        %parallel_loop3A_257 = arith.constant 2048 : i32
        %parallel_loop3A_258 = arith.addi %parallel_loop3A_257, %parallel_loop3A_254 : i32
        %parallel_loop3A_259 = arith.index_cast %parallel_loop3A_258 : i32 to index
        %parallel_loop3A_260 = tpu.vector_load %arg9[%parallel_loop3A_259] {strides = array<i32>} : memref<4096xi32, #tpu.memory_space<vmem>>, vector<16xi32>,
        %parallel_loop3A_261 = tpu.vector_load_idx %arg7[%parallel_loop3A_256] : memref<4096xf32, #tpu.memory_space<vmem>>[vector<16xi32>], vector<16xf32>,
        %parallel_loop3A_262 = tpu.vector_load_idx %arg7[%parallel_loop3A_260] : memref<4096xf32, #tpu.memory_space<vmem>>[vector<16xi32>], vector<16xf32>,
        %parallel_loop3A_263 = arith.index_cast %parallel_loop3A_254 : i32 to index
        %parallel_loop3A_264 = tpu.vector_load %arg12[%parallel_loop3A_263] {strides = array<i32>} : memref<2048xf32, #tpu.memory_space<vmem>>, vector<16xf32>,
        %parallel_loop3A_265 = arith.mulf %parallel_loop3A_261, %parallel_loop3A_262 : vector<16xf32>
        %parallel_loop3A_266 = arith.mulf %parallel_loop3A_265, %parallel_loop3A_264 : vector<16xf32>
        %parallel_loop3A_267 = arith.addf %parallel_loop3A_211, %parallel_loop3A_266 : vector<16xf32>
        %parallel_loop3A_268 = arith.constant 128 : i32
        %parallel_loop3A_269 = arith.muli %parallel_loop3A_208, %parallel_loop3A_268 : i32
        %parallel_loop3A_270 = arith.constant 48 : i32
        %parallel_loop3A_271 = arith.addi %parallel_loop3A_269, %parallel_loop3A_270 : i32
        %parallel_loop3A_272 = arith.index_cast %parallel_loop3A_271 : i32 to index
        %parallel_loop3A_273 = tpu.vector_load %arg9[%parallel_loop3A_272] {strides = array<i32>} : memref<4096xi32, #tpu.memory_space<vmem>>, vector<16xi32>,
        %parallel_loop3A_274 = arith.constant 2048 : i32
        %parallel_loop3A_275 = arith.addi %parallel_loop3A_274, %parallel_loop3A_271 : i32
        %parallel_loop3A_276 = arith.index_cast %parallel_loop3A_275 : i32 to index
        %parallel_loop3A_277 = tpu.vector_load %arg9[%parallel_loop3A_276] {strides = array<i32>} : memref<4096xi32, #tpu.memory_space<vmem>>, vector<16xi32>,
        %parallel_loop3A_278 = tpu.vector_load_idx %arg7[%parallel_loop3A_273] : memref<4096xf32, #tpu.memory_space<vmem>>[vector<16xi32>], vector<16xf32>,
        %parallel_loop3A_279 = tpu.vector_load_idx %arg7[%parallel_loop3A_277] : memref<4096xf32, #tpu.memory_space<vmem>>[vector<16xi32>], vector<16xf32>,
        %parallel_loop3A_280 = arith.index_cast %parallel_loop3A_271 : i32 to index
        %parallel_loop3A_281 = tpu.vector_load %arg12[%parallel_loop3A_280] {strides = array<i32>} : memref<2048xf32, #tpu.memory_space<vmem>>, vector<16xf32>,
        %parallel_loop3A_282 = arith.mulf %parallel_loop3A_278, %parallel_loop3A_279 : vector<16xf32>
        %parallel_loop3A_283 = arith.mulf %parallel_loop3A_282, %parallel_loop3A_281 : vector<16xf32>
        %parallel_loop3A_284 = arith.addf %parallel_loop3A_212, %parallel_loop3A_283 : vector<16xf32>
        %parallel_loop3A_285 = arith.constant 128 : i32
        %parallel_loop3A_286 = arith.muli %parallel_loop3A_208, %parallel_loop3A_285 : i32
        %parallel_loop3A_287 = arith.constant 64 : i32
        %parallel_loop3A_288 = arith.addi %parallel_loop3A_286, %parallel_loop3A_287 : i32
        %parallel_loop3A_289 = arith.index_cast %parallel_loop3A_288 : i32 to index
        %parallel_loop3A_290 = tpu.vector_load %arg9[%parallel_loop3A_289] {strides = array<i32>} : memref<4096xi32, #tpu.memory_space<vmem>>, vector<16xi32>,
        %parallel_loop3A_291 = arith.constant 2048 : i32
        %parallel_loop3A_292 = arith.addi %parallel_loop3A_291, %parallel_loop3A_288 : i32
        %parallel_loop3A_293 = arith.index_cast %parallel_loop3A_292 : i32 to index
        %parallel_loop3A_294 = tpu.vector_load %arg9[%parallel_loop3A_293] {strides = array<i32>} : memref<4096xi32, #tpu.memory_space<vmem>>, vector<16xi32>,
        %parallel_loop3A_295 = tpu.vector_load_idx %arg7[%parallel_loop3A_290] : memref<4096xf32, #tpu.memory_space<vmem>>[vector<16xi32>], vector<16xf32>,
        %parallel_loop3A_296 = tpu.vector_load_idx %arg7[%parallel_loop3A_294] : memref<4096xf32, #tpu.memory_space<vmem>>[vector<16xi32>], vector<16xf32>,
        %parallel_loop3A_297 = arith.index_cast %parallel_loop3A_288 : i32 to index
        %parallel_loop3A_298 = tpu.vector_load %arg12[%parallel_loop3A_297] {strides = array<i32>} : memref<2048xf32, #tpu.memory_space<vmem>>, vector<16xf32>,
        %parallel_loop3A_299 = arith.mulf %parallel_loop3A_295, %parallel_loop3A_296 : vector<16xf32>
        %parallel_loop3A_300 = arith.mulf %parallel_loop3A_299, %parallel_loop3A_298 : vector<16xf32>
        %parallel_loop3A_301 = arith.addf %parallel_loop3A_213, %parallel_loop3A_300 : vector<16xf32>
        %parallel_loop3A_302 = arith.constant 128 : i32
        %parallel_loop3A_303 = arith.muli %parallel_loop3A_208, %parallel_loop3A_302 : i32
        %parallel_loop3A_304 = arith.constant 80 : i32
        %parallel_loop3A_305 = arith.addi %parallel_loop3A_303, %parallel_loop3A_304 : i32
        %parallel_loop3A_306 = arith.index_cast %parallel_loop3A_305 : i32 to index
        %parallel_loop3A_307 = tpu.vector_load %arg9[%parallel_loop3A_306] {strides = array<i32>} : memref<4096xi32, #tpu.memory_space<vmem>>, vector<16xi32>,
        %parallel_loop3A_308 = arith.constant 2048 : i32
        %parallel_loop3A_309 = arith.addi %parallel_loop3A_308, %parallel_loop3A_305 : i32
        %parallel_loop3A_310 = arith.index_cast %parallel_loop3A_309 : i32 to index
        %parallel_loop3A_311 = tpu.vector_load %arg9[%parallel_loop3A_310] {strides = array<i32>} : memref<4096xi32, #tpu.memory_space<vmem>>, vector<16xi32>,
        %parallel_loop3A_312 = tpu.vector_load_idx %arg7[%parallel_loop3A_307] : memref<4096xf32, #tpu.memory_space<vmem>>[vector<16xi32>], vector<16xf32>,
        %parallel_loop3A_313 = tpu.vector_load_idx %arg7[%parallel_loop3A_311] : memref<4096xf32, #tpu.memory_space<vmem>>[vector<16xi32>], vector<16xf32>,
        %parallel_loop3A_314 = arith.index_cast %parallel_loop3A_305 : i32 to index
        %parallel_loop3A_315 = tpu.vector_load %arg12[%parallel_loop3A_314] {strides = array<i32>} : memref<2048xf32, #tpu.memory_space<vmem>>, vector<16xf32>,
        %parallel_loop3A_316 = arith.mulf %parallel_loop3A_312, %parallel_loop3A_313 : vector<16xf32>
        %parallel_loop3A_317 = arith.mulf %parallel_loop3A_316, %parallel_loop3A_315 : vector<16xf32>
        %parallel_loop3A_318 = arith.addf %parallel_loop3A_214, %parallel_loop3A_317 : vector<16xf32>
        %parallel_loop3A_319 = arith.constant 128 : i32
        %parallel_loop3A_320 = arith.muli %parallel_loop3A_208, %parallel_loop3A_319 : i32
        %parallel_loop3A_321 = arith.constant 96 : i32
        %parallel_loop3A_322 = arith.addi %parallel_loop3A_320, %parallel_loop3A_321 : i32
        %parallel_loop3A_323 = arith.index_cast %parallel_loop3A_322 : i32 to index
        %parallel_loop3A_324 = tpu.vector_load %arg9[%parallel_loop3A_323] {strides = array<i32>} : memref<4096xi32, #tpu.memory_space<vmem>>, vector<16xi32>,
        %parallel_loop3A_325 = arith.constant 2048 : i32
        %parallel_loop3A_326 = arith.addi %parallel_loop3A_325, %parallel_loop3A_322 : i32
        %parallel_loop3A_327 = arith.index_cast %parallel_loop3A_326 : i32 to index
        %parallel_loop3A_328 = tpu.vector_load %arg9[%parallel_loop3A_327] {strides = array<i32>} : memref<4096xi32, #tpu.memory_space<vmem>>, vector<16xi32>,
        %parallel_loop3A_329 = tpu.vector_load_idx %arg7[%parallel_loop3A_324] : memref<4096xf32, #tpu.memory_space<vmem>>[vector<16xi32>], vector<16xf32>,
        %parallel_loop3A_330 = tpu.vector_load_idx %arg7[%parallel_loop3A_328] : memref<4096xf32, #tpu.memory_space<vmem>>[vector<16xi32>], vector<16xf32>,
        %parallel_loop3A_331 = arith.index_cast %parallel_loop3A_322 : i32 to index
        %parallel_loop3A_332 = tpu.vector_load %arg12[%parallel_loop3A_331] {strides = array<i32>} : memref<2048xf32, #tpu.memory_space<vmem>>, vector<16xf32>,
        %parallel_loop3A_333 = arith.mulf %parallel_loop3A_329, %parallel_loop3A_330 : vector<16xf32>
        %parallel_loop3A_334 = arith.mulf %parallel_loop3A_333, %parallel_loop3A_332 : vector<16xf32>
        %parallel_loop3A_335 = arith.addf %parallel_loop3A_215, %parallel_loop3A_334 : vector<16xf32>
        %parallel_loop3A_336 = arith.constant 128 : i32
        %parallel_loop3A_337 = arith.muli %parallel_loop3A_208, %parallel_loop3A_336 : i32
        %parallel_loop3A_338 = arith.constant 112 : i32
        %parallel_loop3A_339 = arith.addi %parallel_loop3A_337, %parallel_loop3A_338 : i32
        %parallel_loop3A_340 = arith.index_cast %parallel_loop3A_339 : i32 to index
        %parallel_loop3A_341 = tpu.vector_load %arg9[%parallel_loop3A_340] {strides = array<i32>} : memref<4096xi32, #tpu.memory_space<vmem>>, vector<16xi32>,
        %parallel_loop3A_342 = arith.constant 2048 : i32
        %parallel_loop3A_343 = arith.addi %parallel_loop3A_342, %parallel_loop3A_339 : i32
        %parallel_loop3A_344 = arith.index_cast %parallel_loop3A_343 : i32 to index
        %parallel_loop3A_345 = tpu.vector_load %arg9[%parallel_loop3A_344] {strides = array<i32>} : memref<4096xi32, #tpu.memory_space<vmem>>, vector<16xi32>,
        %parallel_loop3A_346 = tpu.vector_load_idx %arg7[%parallel_loop3A_341] : memref<4096xf32, #tpu.memory_space<vmem>>[vector<16xi32>], vector<16xf32>,
        %parallel_loop3A_347 = tpu.vector_load_idx %arg7[%parallel_loop3A_345] : memref<4096xf32, #tpu.memory_space<vmem>>[vector<16xi32>], vector<16xf32>,
        %parallel_loop3A_348 = arith.index_cast %parallel_loop3A_339 : i32 to index
        %parallel_loop3A_349 = tpu.vector_load %arg12[%parallel_loop3A_348] {strides = array<i32>} : memref<2048xf32, #tpu.memory_space<vmem>>, vector<16xf32>,
        %parallel_loop3A_350 = arith.mulf %parallel_loop3A_346, %parallel_loop3A_347 : vector<16xf32>
        %parallel_loop3A_351 = arith.mulf %parallel_loop3A_350, %parallel_loop3A_349 : vector<16xf32>
        %parallel_loop3A_352 = arith.addf %parallel_loop3A_216, %parallel_loop3A_351 : vector<16xf32>
        scf.yield %parallel_loop3A_233, %parallel_loop3A_250, %parallel_loop3A_267, %parallel_loop3A_284, %parallel_loop3A_301, %parallel_loop3A_318, %parallel_loop3A_335, %parallel_loop3A_352 : vector<16xf32>, vector<16xf32>, vector<16xf32>, vector<16xf32>, vector<16xf32>, vector<16xf32>, vector<16xf32>, vector<16xf32>
      } {sc.loop_unroll_factor = 2 : i64, sc.parallel_access}
      %add3A_168 = arith.constant 3 : i32
      %add3A_169 = arith.addi %add3A_143, %add3A_168 : i32
      %lt3A_170 = arith.cmpi slt, %add3A_169, %min3A : i32
      %convert_element_type3A_171 = arith.extui %lt3A_170 : i1 to i32
      %cond3A_172 = arith.constant 0 : i32
      %cond3A_173 = arith.cmpi ne, %convert_element_type3A_171, %cond3A_172 : i32
      scf.if %cond3A_173 {
        %add3A_208 = arith.constant 3 : i32
        %add3A_209 = arith.addi %add3A_143, %add3A_208 : i32
        %add3A_210 = arith.addi %mul3A_2, %add3A_209 : i32
        %mul3A_211 = arith.constant 2048 : i32
        %mul3A_212 = arith.muli %add3A_210, %mul3A_211 : i32
        %dma_start3A_213 = arith.constant 0 : i32
        %dma_start3A_214 = tpu.memref_slice %arg9[%dma_start3A_213] : memref<4096xi32, #tpu.memory_space<vmem>> -> memref<2048xi32, #tpu.memory_space<vmem>>
        %dma_start3A_215 = tpu.memref_slice %arg3[%mul3A_212] : memref<8386560xi32, #tpu.memory_space<hbm>> -> memref<2048xi32, #tpu.memory_space<hbm>>
        %dma_start3A_216 = arith.constant 0 : i32
        %dma_start3A_217 = tpu.memref_slice %arg9[%dma_start3A_216] : memref<4096xi32, #tpu.memory_space<vmem>> -> memref<2048xi32, #tpu.memory_space<vmem>>
        %dma_start3A_218 = tpu.memref_slice %arg3[%mul3A_212] : memref<8386560xi32, #tpu.memory_space<hbm>> -> memref<2048xi32, #tpu.memory_space<hbm>>
        tpu.enqueue_dma source(%dma_start3A_218 : memref<2048xi32, #tpu.memory_space<hbm>>) target(%dma_start3A_217 : memref<2048xi32, #tpu.memory_space<vmem>>) target_semaphore(%arg16 : memref<!tpu.dma_semaphore, #tpu.memory_space<semaphore_mem>>)
        %dma_start3A_219 = arith.constant 2048 : i32
        %dma_start3A_220 = tpu.memref_slice %arg9[%dma_start3A_219] : memref<4096xi32, #tpu.memory_space<vmem>> -> memref<2048xi32, #tpu.memory_space<vmem>>
        %dma_start3A_221 = tpu.memref_slice %arg4[%mul3A_212] : memref<8386560xi32, #tpu.memory_space<hbm>> -> memref<2048xi32, #tpu.memory_space<hbm>>
        %dma_start3A_222 = arith.constant 2048 : i32
        %dma_start3A_223 = tpu.memref_slice %arg9[%dma_start3A_222] : memref<4096xi32, #tpu.memory_space<vmem>> -> memref<2048xi32, #tpu.memory_space<vmem>>
        %dma_start3A_224 = tpu.memref_slice %arg4[%mul3A_212] : memref<8386560xi32, #tpu.memory_space<hbm>> -> memref<2048xi32, #tpu.memory_space<hbm>>
        tpu.enqueue_dma source(%dma_start3A_224 : memref<2048xi32, #tpu.memory_space<hbm>>) target(%dma_start3A_223 : memref<2048xi32, #tpu.memory_space<vmem>>) target_semaphore(%arg16 : memref<!tpu.dma_semaphore, #tpu.memory_space<semaphore_mem>>)
        %dma_start3A_225 = tpu.memref_slice %arg5[%mul3A_212] : memref<8386560xf32, #tpu.memory_space<hbm>> -> memref<2048xf32, #tpu.memory_space<hbm>>
        %dma_start3A_226 = tpu.memref_slice %arg5[%mul3A_212] : memref<8386560xf32, #tpu.memory_space<hbm>> -> memref<2048xf32, #tpu.memory_space<hbm>>
        tpu.enqueue_dma source(%dma_start3A_226 : memref<2048xf32, #tpu.memory_space<hbm>>) target(%arg12 : memref<2048xf32, #tpu.memory_space<vmem>>) target_semaphore(%arg16 : memref<!tpu.dma_semaphore, #tpu.memory_space<semaphore_mem>>)
      } else {
      }
      %mul3A_174 = arith.constant 3 : i32
      %mul3A_175 = arith.muli %mul3A_174, %while3A_102 : i32
      %add3A_176 = arith.constant 2 : i32
      %add3A_177 = arith.addi %mul3A_175, %add3A_176 : i32
      %dma_wait3A_178 = arith.constant 0 : i32
      %dma_wait3A_179 = tpu.memref_slice %arg10[%dma_wait3A_178] : memref<4096xi32, #tpu.memory_space<vmem>> -> memref<2048xi32, #tpu.memory_space<vmem>>
      %dma_wait3A_180 = arith.constant 0 : i32
      %dma_wait3A_181 = tpu.memref_slice %arg3[%dma_wait3A_180] : memref<8386560xi32, #tpu.memory_space<hbm>> -> memref<2048xi32, #tpu.memory_space<hbm>>
      %dma_wait3A_182 = arith.constant 0 : i32
      %dma_wait3A_183 = tpu.memref_slice %arg10[%dma_wait3A_182] : memref<4096xi32, #tpu.memory_space<vmem>> -> memref<2048xi32, #tpu.memory_space<vmem>>
      %dma_wait3A_184 = arith.constant 0 : i32
      %dma_wait3A_185 = tpu.memref_slice %arg3[%dma_wait3A_184] : memref<8386560xi32, #tpu.memory_space<hbm>> -> memref<2048xi32, #tpu.memory_space<hbm>>
      tpu.wait_dma2 semaphore(%arg17 : memref<!tpu.dma_semaphore, #tpu.memory_space<semaphore_mem>>) src(%dma_wait3A_185 : memref<2048xi32, #tpu.memory_space<hbm>>) dst(%dma_wait3A_183 : memref<2048xi32, #tpu.memory_space<vmem>>)
      %dma_wait3A_186 = arith.constant 2048 : i32
      %dma_wait3A_187 = tpu.memref_slice %arg10[%dma_wait3A_186] : memref<4096xi32, #tpu.memory_space<vmem>> -> memref<2048xi32, #tpu.memory_space<vmem>>
      %dma_wait3A_188 = arith.constant 0 : i32
      %dma_wait3A_189 = tpu.memref_slice %arg3[%dma_wait3A_188] : memref<8386560xi32, #tpu.memory_space<hbm>> -> memref<2048xi32, #tpu.memory_space<hbm>>
      %dma_wait3A_190 = arith.constant 2048 : i32
      %dma_wait3A_191 = tpu.memref_slice %arg10[%dma_wait3A_190] : memref<4096xi32, #tpu.memory_space<vmem>> -> memref<2048xi32, #tpu.memory_space<vmem>>
      %dma_wait3A_192 = arith.constant 0 : i32
      %dma_wait3A_193 = tpu.memref_slice %arg3[%dma_wait3A_192] : memref<8386560xi32, #tpu.memory_space<hbm>> -> memref<2048xi32, #tpu.memory_space<hbm>>
      tpu.wait_dma2 semaphore(%arg17 : memref<!tpu.dma_semaphore, #tpu.memory_space<semaphore_mem>>) src(%dma_wait3A_193 : memref<2048xi32, #tpu.memory_space<hbm>>) dst(%dma_wait3A_191 : memref<2048xi32, #tpu.memory_space<vmem>>)
      %dma_wait3A_194 = arith.constant 0 : i32
      %dma_wait3A_195 = tpu.memref_slice %arg5[%dma_wait3A_194] : memref<8386560xf32, #tpu.memory_space<hbm>> -> memref<2048xf32, #tpu.memory_space<hbm>>
      %dma_wait3A_196 = arith.constant 0 : i32
      %dma_wait3A_197 = tpu.memref_slice %arg5[%dma_wait3A_196] : memref<8386560xf32, #tpu.memory_space<hbm>> -> memref<2048xf32, #tpu.memory_space<hbm>>
      tpu.wait_dma2 semaphore(%arg17 : memref<!tpu.dma_semaphore, #tpu.memory_space<semaphore_mem>>) src(%dma_wait3A_197 : memref<2048xf32, #tpu.memory_space<hbm>>) dst(%arg13 : memref<2048xf32, #tpu.memory_space<vmem>>)
      %parallel_loop3A_198 = arith.constant 0 : i32
      %parallel_loop3A_199 = arith.constant 16 : i32
      %parallel_loop3A_200 = arith.constant 1 : i32
      %parallel_loop3A_201:8 = scf.for %parallel_loop3A_208 = %parallel_loop3A_198 to %parallel_loop3A_199 step %parallel_loop3A_200 iter_args(%parallel_loop3A_209 = %parallel_loop3A_167#0, %parallel_loop3A_210 = %parallel_loop3A_167#1, %parallel_loop3A_211 = %parallel_loop3A_167#2, %parallel_loop3A_212 = %parallel_loop3A_167#3, %parallel_loop3A_213 = %parallel_loop3A_167#4, %parallel_loop3A_214 = %parallel_loop3A_167#5, %parallel_loop3A_215 = %parallel_loop3A_167#6, %parallel_loop3A_216 = %parallel_loop3A_167#7) -> (vector<16xf32>, vector<16xf32>, vector<16xf32>, vector<16xf32>, vector<16xf32>, vector<16xf32>, vector<16xf32>, vector<16xf32>)  : i32 {
        %parallel_loop3A_217 = arith.constant 128 : i32
        %parallel_loop3A_218 = arith.muli %parallel_loop3A_208, %parallel_loop3A_217 : i32
        %parallel_loop3A_219 = arith.constant 0 : i32
        %parallel_loop3A_220 = arith.addi %parallel_loop3A_218, %parallel_loop3A_219 : i32
        %parallel_loop3A_221 = arith.index_cast %parallel_loop3A_220 : i32 to index
        %parallel_loop3A_222 = tpu.vector_load %arg10[%parallel_loop3A_221] {strides = array<i32>} : memref<4096xi32, #tpu.memory_space<vmem>>, vector<16xi32>,
        %parallel_loop3A_223 = arith.constant 2048 : i32
        %parallel_loop3A_224 = arith.addi %parallel_loop3A_223, %parallel_loop3A_220 : i32
        %parallel_loop3A_225 = arith.index_cast %parallel_loop3A_224 : i32 to index
        %parallel_loop3A_226 = tpu.vector_load %arg10[%parallel_loop3A_225] {strides = array<i32>} : memref<4096xi32, #tpu.memory_space<vmem>>, vector<16xi32>,
        %parallel_loop3A_227 = tpu.vector_load_idx %arg7[%parallel_loop3A_222] : memref<4096xf32, #tpu.memory_space<vmem>>[vector<16xi32>], vector<16xf32>,
        %parallel_loop3A_228 = tpu.vector_load_idx %arg7[%parallel_loop3A_226] : memref<4096xf32, #tpu.memory_space<vmem>>[vector<16xi32>], vector<16xf32>,
        %parallel_loop3A_229 = arith.index_cast %parallel_loop3A_220 : i32 to index
        %parallel_loop3A_230 = tpu.vector_load %arg13[%parallel_loop3A_229] {strides = array<i32>} : memref<2048xf32, #tpu.memory_space<vmem>>, vector<16xf32>,
        %parallel_loop3A_231 = arith.mulf %parallel_loop3A_227, %parallel_loop3A_228 : vector<16xf32>
        %parallel_loop3A_232 = arith.mulf %parallel_loop3A_231, %parallel_loop3A_230 : vector<16xf32>
        %parallel_loop3A_233 = arith.addf %parallel_loop3A_209, %parallel_loop3A_232 : vector<16xf32>
        %parallel_loop3A_234 = arith.constant 128 : i32
        %parallel_loop3A_235 = arith.muli %parallel_loop3A_208, %parallel_loop3A_234 : i32
        %parallel_loop3A_236 = arith.constant 16 : i32
        %parallel_loop3A_237 = arith.addi %parallel_loop3A_235, %parallel_loop3A_236 : i32
        %parallel_loop3A_238 = arith.index_cast %parallel_loop3A_237 : i32 to index
        %parallel_loop3A_239 = tpu.vector_load %arg10[%parallel_loop3A_238] {strides = array<i32>} : memref<4096xi32, #tpu.memory_space<vmem>>, vector<16xi32>,
        %parallel_loop3A_240 = arith.constant 2048 : i32
        %parallel_loop3A_241 = arith.addi %parallel_loop3A_240, %parallel_loop3A_237 : i32
        %parallel_loop3A_242 = arith.index_cast %parallel_loop3A_241 : i32 to index
        %parallel_loop3A_243 = tpu.vector_load %arg10[%parallel_loop3A_242] {strides = array<i32>} : memref<4096xi32, #tpu.memory_space<vmem>>, vector<16xi32>,
        %parallel_loop3A_244 = tpu.vector_load_idx %arg7[%parallel_loop3A_239] : memref<4096xf32, #tpu.memory_space<vmem>>[vector<16xi32>], vector<16xf32>,
        %parallel_loop3A_245 = tpu.vector_load_idx %arg7[%parallel_loop3A_243] : memref<4096xf32, #tpu.memory_space<vmem>>[vector<16xi32>], vector<16xf32>,
        %parallel_loop3A_246 = arith.index_cast %parallel_loop3A_237 : i32 to index
        %parallel_loop3A_247 = tpu.vector_load %arg13[%parallel_loop3A_246] {strides = array<i32>} : memref<2048xf32, #tpu.memory_space<vmem>>, vector<16xf32>,
        %parallel_loop3A_248 = arith.mulf %parallel_loop3A_244, %parallel_loop3A_245 : vector<16xf32>
        %parallel_loop3A_249 = arith.mulf %parallel_loop3A_248, %parallel_loop3A_247 : vector<16xf32>
        %parallel_loop3A_250 = arith.addf %parallel_loop3A_210, %parallel_loop3A_249 : vector<16xf32>
        %parallel_loop3A_251 = arith.constant 128 : i32
        %parallel_loop3A_252 = arith.muli %parallel_loop3A_208, %parallel_loop3A_251 : i32
        %parallel_loop3A_253 = arith.constant 32 : i32
        %parallel_loop3A_254 = arith.addi %parallel_loop3A_252, %parallel_loop3A_253 : i32
        %parallel_loop3A_255 = arith.index_cast %parallel_loop3A_254 : i32 to index
        %parallel_loop3A_256 = tpu.vector_load %arg10[%parallel_loop3A_255] {strides = array<i32>} : memref<4096xi32, #tpu.memory_space<vmem>>, vector<16xi32>,
        %parallel_loop3A_257 = arith.constant 2048 : i32
        %parallel_loop3A_258 = arith.addi %parallel_loop3A_257, %parallel_loop3A_254 : i32
        %parallel_loop3A_259 = arith.index_cast %parallel_loop3A_258 : i32 to index
        %parallel_loop3A_260 = tpu.vector_load %arg10[%parallel_loop3A_259] {strides = array<i32>} : memref<4096xi32, #tpu.memory_space<vmem>>, vector<16xi32>,
        %parallel_loop3A_261 = tpu.vector_load_idx %arg7[%parallel_loop3A_256] : memref<4096xf32, #tpu.memory_space<vmem>>[vector<16xi32>], vector<16xf32>,
        %parallel_loop3A_262 = tpu.vector_load_idx %arg7[%parallel_loop3A_260] : memref<4096xf32, #tpu.memory_space<vmem>>[vector<16xi32>], vector<16xf32>,
        %parallel_loop3A_263 = arith.index_cast %parallel_loop3A_254 : i32 to index
        %parallel_loop3A_264 = tpu.vector_load %arg13[%parallel_loop3A_263] {strides = array<i32>} : memref<2048xf32, #tpu.memory_space<vmem>>, vector<16xf32>,
        %parallel_loop3A_265 = arith.mulf %parallel_loop3A_261, %parallel_loop3A_262 : vector<16xf32>
        %parallel_loop3A_266 = arith.mulf %parallel_loop3A_265, %parallel_loop3A_264 : vector<16xf32>
        %parallel_loop3A_267 = arith.addf %parallel_loop3A_211, %parallel_loop3A_266 : vector<16xf32>
        %parallel_loop3A_268 = arith.constant 128 : i32
        %parallel_loop3A_269 = arith.muli %parallel_loop3A_208, %parallel_loop3A_268 : i32
        %parallel_loop3A_270 = arith.constant 48 : i32
        %parallel_loop3A_271 = arith.addi %parallel_loop3A_269, %parallel_loop3A_270 : i32
        %parallel_loop3A_272 = arith.index_cast %parallel_loop3A_271 : i32 to index
        %parallel_loop3A_273 = tpu.vector_load %arg10[%parallel_loop3A_272] {strides = array<i32>} : memref<4096xi32, #tpu.memory_space<vmem>>, vector<16xi32>,
        %parallel_loop3A_274 = arith.constant 2048 : i32
        %parallel_loop3A_275 = arith.addi %parallel_loop3A_274, %parallel_loop3A_271 : i32
        %parallel_loop3A_276 = arith.index_cast %parallel_loop3A_275 : i32 to index
        %parallel_loop3A_277 = tpu.vector_load %arg10[%parallel_loop3A_276] {strides = array<i32>} : memref<4096xi32, #tpu.memory_space<vmem>>, vector<16xi32>,
        %parallel_loop3A_278 = tpu.vector_load_idx %arg7[%parallel_loop3A_273] : memref<4096xf32, #tpu.memory_space<vmem>>[vector<16xi32>], vector<16xf32>,
        %parallel_loop3A_279 = tpu.vector_load_idx %arg7[%parallel_loop3A_277] : memref<4096xf32, #tpu.memory_space<vmem>>[vector<16xi32>], vector<16xf32>,
        %parallel_loop3A_280 = arith.index_cast %parallel_loop3A_271 : i32 to index
        %parallel_loop3A_281 = tpu.vector_load %arg13[%parallel_loop3A_280] {strides = array<i32>} : memref<2048xf32, #tpu.memory_space<vmem>>, vector<16xf32>,
        %parallel_loop3A_282 = arith.mulf %parallel_loop3A_278, %parallel_loop3A_279 : vector<16xf32>
        %parallel_loop3A_283 = arith.mulf %parallel_loop3A_282, %parallel_loop3A_281 : vector<16xf32>
        %parallel_loop3A_284 = arith.addf %parallel_loop3A_212, %parallel_loop3A_283 : vector<16xf32>
        %parallel_loop3A_285 = arith.constant 128 : i32
        %parallel_loop3A_286 = arith.muli %parallel_loop3A_208, %parallel_loop3A_285 : i32
        %parallel_loop3A_287 = arith.constant 64 : i32
        %parallel_loop3A_288 = arith.addi %parallel_loop3A_286, %parallel_loop3A_287 : i32
        %parallel_loop3A_289 = arith.index_cast %parallel_loop3A_288 : i32 to index
        %parallel_loop3A_290 = tpu.vector_load %arg10[%parallel_loop3A_289] {strides = array<i32>} : memref<4096xi32, #tpu.memory_space<vmem>>, vector<16xi32>,
        %parallel_loop3A_291 = arith.constant 2048 : i32
        %parallel_loop3A_292 = arith.addi %parallel_loop3A_291, %parallel_loop3A_288 : i32
        %parallel_loop3A_293 = arith.index_cast %parallel_loop3A_292 : i32 to index
        %parallel_loop3A_294 = tpu.vector_load %arg10[%parallel_loop3A_293] {strides = array<i32>} : memref<4096xi32, #tpu.memory_space<vmem>>, vector<16xi32>,
        %parallel_loop3A_295 = tpu.vector_load_idx %arg7[%parallel_loop3A_290] : memref<4096xf32, #tpu.memory_space<vmem>>[vector<16xi32>], vector<16xf32>,
        %parallel_loop3A_296 = tpu.vector_load_idx %arg7[%parallel_loop3A_294] : memref<4096xf32, #tpu.memory_space<vmem>>[vector<16xi32>], vector<16xf32>,
        %parallel_loop3A_297 = arith.index_cast %parallel_loop3A_288 : i32 to index
        %parallel_loop3A_298 = tpu.vector_load %arg13[%parallel_loop3A_297] {strides = array<i32>} : memref<2048xf32, #tpu.memory_space<vmem>>, vector<16xf32>,
        %parallel_loop3A_299 = arith.mulf %parallel_loop3A_295, %parallel_loop3A_296 : vector<16xf32>
        %parallel_loop3A_300 = arith.mulf %parallel_loop3A_299, %parallel_loop3A_298 : vector<16xf32>
        %parallel_loop3A_301 = arith.addf %parallel_loop3A_213, %parallel_loop3A_300 : vector<16xf32>
        %parallel_loop3A_302 = arith.constant 128 : i32
        %parallel_loop3A_303 = arith.muli %parallel_loop3A_208, %parallel_loop3A_302 : i32
        %parallel_loop3A_304 = arith.constant 80 : i32
        %parallel_loop3A_305 = arith.addi %parallel_loop3A_303, %parallel_loop3A_304 : i32
        %parallel_loop3A_306 = arith.index_cast %parallel_loop3A_305 : i32 to index
        %parallel_loop3A_307 = tpu.vector_load %arg10[%parallel_loop3A_306] {strides = array<i32>} : memref<4096xi32, #tpu.memory_space<vmem>>, vector<16xi32>,
        %parallel_loop3A_308 = arith.constant 2048 : i32
        %parallel_loop3A_309 = arith.addi %parallel_loop3A_308, %parallel_loop3A_305 : i32
        %parallel_loop3A_310 = arith.index_cast %parallel_loop3A_309 : i32 to index
        %parallel_loop3A_311 = tpu.vector_load %arg10[%parallel_loop3A_310] {strides = array<i32>} : memref<4096xi32, #tpu.memory_space<vmem>>, vector<16xi32>,
        %parallel_loop3A_312 = tpu.vector_load_idx %arg7[%parallel_loop3A_307] : memref<4096xf32, #tpu.memory_space<vmem>>[vector<16xi32>], vector<16xf32>,
        %parallel_loop3A_313 = tpu.vector_load_idx %arg7[%parallel_loop3A_311] : memref<4096xf32, #tpu.memory_space<vmem>>[vector<16xi32>], vector<16xf32>,
        %parallel_loop3A_314 = arith.index_cast %parallel_loop3A_305 : i32 to index
        %parallel_loop3A_315 = tpu.vector_load %arg13[%parallel_loop3A_314] {strides = array<i32>} : memref<2048xf32, #tpu.memory_space<vmem>>, vector<16xf32>,
        %parallel_loop3A_316 = arith.mulf %parallel_loop3A_312, %parallel_loop3A_313 : vector<16xf32>
        %parallel_loop3A_317 = arith.mulf %parallel_loop3A_316, %parallel_loop3A_315 : vector<16xf32>
        %parallel_loop3A_318 = arith.addf %parallel_loop3A_214, %parallel_loop3A_317 : vector<16xf32>
        %parallel_loop3A_319 = arith.constant 128 : i32
        %parallel_loop3A_320 = arith.muli %parallel_loop3A_208, %parallel_loop3A_319 : i32
        %parallel_loop3A_321 = arith.constant 96 : i32
        %parallel_loop3A_322 = arith.addi %parallel_loop3A_320, %parallel_loop3A_321 : i32
        %parallel_loop3A_323 = arith.index_cast %parallel_loop3A_322 : i32 to index
        %parallel_loop3A_324 = tpu.vector_load %arg10[%parallel_loop3A_323] {strides = array<i32>} : memref<4096xi32, #tpu.memory_space<vmem>>, vector<16xi32>,
        %parallel_loop3A_325 = arith.constant 2048 : i32
        %parallel_loop3A_326 = arith.addi %parallel_loop3A_325, %parallel_loop3A_322 : i32
        %parallel_loop3A_327 = arith.index_cast %parallel_loop3A_326 : i32 to index
        %parallel_loop3A_328 = tpu.vector_load %arg10[%parallel_loop3A_327] {strides = array<i32>} : memref<4096xi32, #tpu.memory_space<vmem>>, vector<16xi32>,
        %parallel_loop3A_329 = tpu.vector_load_idx %arg7[%parallel_loop3A_324] : memref<4096xf32, #tpu.memory_space<vmem>>[vector<16xi32>], vector<16xf32>,
        %parallel_loop3A_330 = tpu.vector_load_idx %arg7[%parallel_loop3A_328] : memref<4096xf32, #tpu.memory_space<vmem>>[vector<16xi32>], vector<16xf32>,
        %parallel_loop3A_331 = arith.index_cast %parallel_loop3A_322 : i32 to index
        %parallel_loop3A_332 = tpu.vector_load %arg13[%parallel_loop3A_331] {strides = array<i32>} : memref<2048xf32, #tpu.memory_space<vmem>>, vector<16xf32>,
        %parallel_loop3A_333 = arith.mulf %parallel_loop3A_329, %parallel_loop3A_330 : vector<16xf32>
        %parallel_loop3A_334 = arith.mulf %parallel_loop3A_333, %parallel_loop3A_332 : vector<16xf32>
        %parallel_loop3A_335 = arith.addf %parallel_loop3A_215, %parallel_loop3A_334 : vector<16xf32>
        %parallel_loop3A_336 = arith.constant 128 : i32
        %parallel_loop3A_337 = arith.muli %parallel_loop3A_208, %parallel_loop3A_336 : i32
        %parallel_loop3A_338 = arith.constant 112 : i32
        %parallel_loop3A_339 = arith.addi %parallel_loop3A_337, %parallel_loop3A_338 : i32
        %parallel_loop3A_340 = arith.index_cast %parallel_loop3A_339 : i32 to index
        %parallel_loop3A_341 = tpu.vector_load %arg10[%parallel_loop3A_340] {strides = array<i32>} : memref<4096xi32, #tpu.memory_space<vmem>>, vector<16xi32>,
        %parallel_loop3A_342 = arith.constant 2048 : i32
        %parallel_loop3A_343 = arith.addi %parallel_loop3A_342, %parallel_loop3A_339 : i32
        %parallel_loop3A_344 = arith.index_cast %parallel_loop3A_343 : i32 to index
        %parallel_loop3A_345 = tpu.vector_load %arg10[%parallel_loop3A_344] {strides = array<i32>} : memref<4096xi32, #tpu.memory_space<vmem>>, vector<16xi32>,
        %parallel_loop3A_346 = tpu.vector_load_idx %arg7[%parallel_loop3A_341] : memref<4096xf32, #tpu.memory_space<vmem>>[vector<16xi32>], vector<16xf32>,
        %parallel_loop3A_347 = tpu.vector_load_idx %arg7[%parallel_loop3A_345] : memref<4096xf32, #tpu.memory_space<vmem>>[vector<16xi32>], vector<16xf32>,
        %parallel_loop3A_348 = arith.index_cast %parallel_loop3A_339 : i32 to index
        %parallel_loop3A_349 = tpu.vector_load %arg13[%parallel_loop3A_348] {strides = array<i32>} : memref<2048xf32, #tpu.memory_space<vmem>>, vector<16xf32>,
        %parallel_loop3A_350 = arith.mulf %parallel_loop3A_346, %parallel_loop3A_347 : vector<16xf32>
        %parallel_loop3A_351 = arith.mulf %parallel_loop3A_350, %parallel_loop3A_349 : vector<16xf32>
        %parallel_loop3A_352 = arith.addf %parallel_loop3A_216, %parallel_loop3A_351 : vector<16xf32>
        scf.yield %parallel_loop3A_233, %parallel_loop3A_250, %parallel_loop3A_267, %parallel_loop3A_284, %parallel_loop3A_301, %parallel_loop3A_318, %parallel_loop3A_335, %parallel_loop3A_352 : vector<16xf32>, vector<16xf32>, vector<16xf32>, vector<16xf32>, vector<16xf32>, vector<16xf32>, vector<16xf32>, vector<16xf32>
      } {sc.loop_unroll_factor = 2 : i64, sc.parallel_access}
      %add3A_202 = arith.constant 3 : i32
      %add3A_203 = arith.addi %add3A_177, %add3A_202 : i32
      %lt3A_204 = arith.cmpi slt, %add3A_203, %min3A : i32
      %convert_element_type3A_205 = arith.extui %lt3A_204 : i1 to i32
      %cond3A_206 = arith.constant 0 : i32
      %cond3A_207 = arith.cmpi ne, %convert_element_type3A_205, %cond3A_206 : i32
      scf.if %cond3A_207 {
        %add3A_208 = arith.constant 3 : i32
        %add3A_209 = arith.addi %add3A_177, %add3A_208 : i32
        %add3A_210 = arith.addi %mul3A_2, %add3A_209 : i32
        %mul3A_211 = arith.constant 2048 : i32
        %mul3A_212 = arith.muli %add3A_210, %mul3A_211 : i32
        %dma_start3A_213 = arith.constant 0 : i32
        %dma_start3A_214 = tpu.memref_slice %arg10[%dma_start3A_213] : memref<4096xi32, #tpu.memory_space<vmem>> -> memref<2048xi32, #tpu.memory_space<vmem>>
        %dma_start3A_215 = tpu.memref_slice %arg3[%mul3A_212] : memref<8386560xi32, #tpu.memory_space<hbm>> -> memref<2048xi32, #tpu.memory_space<hbm>>
        %dma_start3A_216 = arith.constant 0 : i32
        %dma_start3A_217 = tpu.memref_slice %arg10[%dma_start3A_216] : memref<4096xi32, #tpu.memory_space<vmem>> -> memref<2048xi32, #tpu.memory_space<vmem>>
        %dma_start3A_218 = tpu.memref_slice %arg3[%mul3A_212] : memref<8386560xi32, #tpu.memory_space<hbm>> -> memref<2048xi32, #tpu.memory_space<hbm>>
        tpu.enqueue_dma source(%dma_start3A_218 : memref<2048xi32, #tpu.memory_space<hbm>>) target(%dma_start3A_217 : memref<2048xi32, #tpu.memory_space<vmem>>) target_semaphore(%arg17 : memref<!tpu.dma_semaphore, #tpu.memory_space<semaphore_mem>>)
        %dma_start3A_219 = arith.constant 2048 : i32
        %dma_start3A_220 = tpu.memref_slice %arg10[%dma_start3A_219] : memref<4096xi32, #tpu.memory_space<vmem>> -> memref<2048xi32, #tpu.memory_space<vmem>>
        %dma_start3A_221 = tpu.memref_slice %arg4[%mul3A_212] : memref<8386560xi32, #tpu.memory_space<hbm>> -> memref<2048xi32, #tpu.memory_space<hbm>>
        %dma_start3A_222 = arith.constant 2048 : i32
        %dma_start3A_223 = tpu.memref_slice %arg10[%dma_start3A_222] : memref<4096xi32, #tpu.memory_space<vmem>> -> memref<2048xi32, #tpu.memory_space<vmem>>
        %dma_start3A_224 = tpu.memref_slice %arg4[%mul3A_212] : memref<8386560xi32, #tpu.memory_space<hbm>> -> memref<2048xi32, #tpu.memory_space<hbm>>
        tpu.enqueue_dma source(%dma_start3A_224 : memref<2048xi32, #tpu.memory_space<hbm>>) target(%dma_start3A_223 : memref<2048xi32, #tpu.memory_space<vmem>>) target_semaphore(%arg17 : memref<!tpu.dma_semaphore, #tpu.memory_space<semaphore_mem>>)
        %dma_start3A_225 = tpu.memref_slice %arg5[%mul3A_212] : memref<8386560xf32, #tpu.memory_space<hbm>> -> memref<2048xf32, #tpu.memory_space<hbm>>
        %dma_start3A_226 = tpu.memref_slice %arg5[%mul3A_212] : memref<8386560xf32, #tpu.memory_space<hbm>> -> memref<2048xf32, #tpu.memory_space<hbm>>
        tpu.enqueue_dma source(%dma_start3A_226 : memref<2048xf32, #tpu.memory_space<hbm>>) target(%arg13 : memref<2048xf32, #tpu.memory_space<vmem>>) target_semaphore(%arg17 : memref<!tpu.dma_semaphore, #tpu.memory_space<semaphore_mem>>)
      } else {
      }
      scf.yield %parallel_loop3A_201#0, %parallel_loop3A_201#1, %parallel_loop3A_201#2, %parallel_loop3A_201#3, %parallel_loop3A_201#4, %parallel_loop3A_201#5, %parallel_loop3A_201#6, %parallel_loop3A_201#7 : vector<16xf32>, vector<16xf32>, vector<16xf32>, vector<16xf32>, vector<16xf32>, vector<16xf32>, vector<16xf32>, vector<16xf32>
    }
    %swap3A = arith.constant 0 : index
    %swap3A_87 = tpu.vector_load %arg14[%swap3A] {strides = array<i32>} : memref<128xf32, #tpu.memory_space<vmem>>, vector<16xf32>,
    tpu.vector_store %arg14[%swap3A], %while3A_86#0 {strides = array<i32>} : memref<128xf32, #tpu.memory_space<vmem>>, vector<16xf32>,
    %swap3A_88 = arith.constant 16 : index
    %swap3A_89 = tpu.vector_load %arg14[%swap3A_88] {strides = array<i32>} : memref<128xf32, #tpu.memory_space<vmem>>, vector<16xf32>,
    tpu.vector_store %arg14[%swap3A_88], %while3A_86#1 {strides = array<i32>} : memref<128xf32, #tpu.memory_space<vmem>>, vector<16xf32>,
    %swap3A_90 = arith.constant 32 : index
    %swap3A_91 = tpu.vector_load %arg14[%swap3A_90] {strides = array<i32>} : memref<128xf32, #tpu.memory_space<vmem>>, vector<16xf32>,
    tpu.vector_store %arg14[%swap3A_90], %while3A_86#2 {strides = array<i32>} : memref<128xf32, #tpu.memory_space<vmem>>, vector<16xf32>,
    %swap3A_92 = arith.constant 48 : index
    %swap3A_93 = tpu.vector_load %arg14[%swap3A_92] {strides = array<i32>} : memref<128xf32, #tpu.memory_space<vmem>>, vector<16xf32>,
    tpu.vector_store %arg14[%swap3A_92], %while3A_86#3 {strides = array<i32>} : memref<128xf32, #tpu.memory_space<vmem>>, vector<16xf32>,
    %swap3A_94 = arith.constant 64 : index
    %swap3A_95 = tpu.vector_load %arg14[%swap3A_94] {strides = array<i32>} : memref<128xf32, #tpu.memory_space<vmem>>, vector<16xf32>,
    tpu.vector_store %arg14[%swap3A_94], %while3A_86#4 {strides = array<i32>} : memref<128xf32, #tpu.memory_space<vmem>>, vector<16xf32>,
    %swap3A_96 = arith.constant 80 : index
    %swap3A_97 = tpu.vector_load %arg14[%swap3A_96] {strides = array<i32>} : memref<128xf32, #tpu.memory_space<vmem>>, vector<16xf32>,
    tpu.vector_store %arg14[%swap3A_96], %while3A_86#5 {strides = array<i32>} : memref<128xf32, #tpu.memory_space<vmem>>, vector<16xf32>,
    %swap3A_98 = arith.constant 96 : index
    %swap3A_99 = tpu.vector_load %arg14[%swap3A_98] {strides = array<i32>} : memref<128xf32, #tpu.memory_space<vmem>>, vector<16xf32>,
    tpu.vector_store %arg14[%swap3A_98], %while3A_86#6 {strides = array<i32>} : memref<128xf32, #tpu.memory_space<vmem>>, vector<16xf32>,
    %swap3A_100 = arith.constant 112 : index
    %swap3A_101 = tpu.vector_load %arg14[%swap3A_100] {strides = array<i32>} : memref<128xf32, #tpu.memory_space<vmem>>, vector<16xf32>,
    tpu.vector_store %arg14[%swap3A_100], %while3A_86#7 {strides = array<i32>} : memref<128xf32, #tpu.memory_space<vmem>>, vector<16xf32>,
    "tpu.region"() ({
      %run_scoped3A = tpu.sem_alloc : memref<!tpu.dma_semaphore, #tpu.memory_space<semaphore_mem>>
      %dma_start3A_102 = arith.constant 0 : i32
      %dma_start3A_103 = tpu.memref_slice %arg6[%add3A, %dma_start3A_102] : memref<32x128xf32, #tpu.memory_space<hbm>> -> memref<1x128xf32, #tpu.memory_space<hbm>>
      %dma_start3A_104 = tpu.memref_squeeze %dma_start3A_103 : memref<1x128xf32, #tpu.memory_space<hbm>> -> memref<128xf32, #tpu.memory_space<hbm>>
      %dma_start3A_105 = arith.constant 0 : i32
      %dma_start3A_106 = tpu.memref_slice %arg6[%add3A, %dma_start3A_105] : memref<32x128xf32, #tpu.memory_space<hbm>> -> memref<1x128xf32, #tpu.memory_space<hbm>>
      %dma_start3A_107 = tpu.memref_squeeze %dma_start3A_106 : memref<1x128xf32, #tpu.memory_space<hbm>> -> memref<128xf32, #tpu.memory_space<hbm>>
      tpu.enqueue_dma source(%arg14 : memref<128xf32, #tpu.memory_space<vmem>>) target(%dma_start3A_107 : memref<128xf32, #tpu.memory_space<hbm>>) target_semaphore(%run_scoped3A : memref<!tpu.dma_semaphore, #tpu.memory_space<semaphore_mem>>)
      %dma_wait3A = arith.constant 0 : i32
      %dma_wait3A_108 = tpu.memref_slice %arg6[%add3A, %dma_wait3A] : memref<32x128xf32, #tpu.memory_space<hbm>> -> memref<1x128xf32, #tpu.memory_space<hbm>>
      %dma_wait3A_109 = tpu.memref_squeeze %dma_wait3A_108 : memref<1x128xf32, #tpu.memory_space<hbm>> -> memref<128xf32, #tpu.memory_space<hbm>>
      %dma_wait3A_110 = arith.constant 0 : i32
      %dma_wait3A_111 = tpu.memref_slice %arg6[%add3A, %dma_wait3A_110] : memref<32x128xf32, #tpu.memory_space<hbm>> -> memref<1x128xf32, #tpu.memory_space<hbm>>
      %dma_wait3A_112 = tpu.memref_squeeze %dma_wait3A_111 : memref<1x128xf32, #tpu.memory_space<hbm>> -> memref<128xf32, #tpu.memory_space<hbm>>
      tpu.wait_dma2 semaphore(%run_scoped3A : memref<!tpu.dma_semaphore, #tpu.memory_space<semaphore_mem>>) src(%arg14 : memref<128xf32, #tpu.memory_space<vmem>>) dst(%dma_wait3A_112 : memref<128xf32, #tpu.memory_space<hbm>>)
      tpu.yield
    }) : () -> ()
    return
  }
}

</mosaic_0001>

<sc_bundles>
// kernel: kernel.3.cloned.1.call-start
scs
__scs_entry_jumppad:
0x0: {  	(pc) =	sbr.rel $0x88, $3  }
0x1: {  	(tag) =	ssettag $0x0;
	lr =	simm.s32 $0x1  }
0x2: {  	[smem:$0x3F9D] =	sst lr;
	_ =	strace $0xD0000000  }
0x3: {  	_ = 	snop  }
0x4: {  	_ = 	snop  }
0x5: {  	_ = 	snop  }
0x6: {  	_ = 	snop  }
0x7: {  	_ = 	snop  }
__scs_overlays_trampoline_lowered:
0x8: {  	[smem:$0x3FAC] =	sst s0  }
0x9: {  	[smem:$0x3FAD] =	sst s1  }
0xa: {  	[smem:$0x3FAE] =	sst s2  }
0xb: {  	[smem:$0x3FAF] =	sst s3  }
0xc: {  	[smem:$0x3FB0] =	sst s4  }
0xd: {  	[smem:$0x3FB1] =	sst s5  }
0xe: {  	[smem:$0x3FB2] =	sst s6  }
0xf: {  	[smem:$0x3FB3] =	sst s7  }
0x10: {  	[smem:$0x3FB4] =	sst s8  }
0x11: {  	[smem:$0x3FB5] =	sst s9;
	s0 =	simm.s32 @!p0 $0x0  }
0x12: {  	s1 =	sld [smem:$0x3F9B];
	s0 =	simm.s32 @p0 $0x1  }
0x13: {  	[smem:$0x3FB6] =	sst s0;
	s0 =	simm.s32 @!p1 $0x0  }
0x14: {  	s2 =	sld [smem:$0x3F9A];
	s0 =	simm.s32 @p1 $0x1  }
0x15: {  	[smem:$0x3FB7] =	sst s0;
	s0 =	simm.s32 @!p2 $0x0  }
0x16: {  	s3 =	sld [smem:$0x3FDB];
	s0 =	simm.s32 @p2 $0x1  }
0x17: {  	s4 =	simm.s32 $0x1BF5;
	[smem:$0x3FB9] =	sst s0  }
0x18: {  	s0 =	sld [smem:$0x3F9C];
	_ =	swait.ge [sflag:s4], $0x0  }
0x19: {  	s7 =	sld [smem:$0x3F9D]  }
0x1a: {  	s8 =	sadd.s32 $0xFFFFE003, lr  }
0x1b: {  	s9 =	sadd.s32 $0xFFFFFEF7, lr;
	s5 =	simm.s32 $0xFFFFFFFF;
	p2 =	slt.u32 s8, $0xFFFFF086  }
0x1c: {  	p1 =	slt.u32 s9, $0xF7A;
	s5 =	simm.s32 @!p2 $0x0  }
0x1d: {  	s5 =	simm.s32 @p1 $0x1;
	p0 =	seq.s32 s7, s2  }
0x1e: {  	s7 =	smul.u32 @!p0 $0xF7A, s2;
	p2 =	seq.s32 @!p0 s5, $0x0  }
0x1f: {  	s9 =	smul.u32 $0xF7A, s1;
	s8 =	simm.s32 @!p0 $0x1BF5;
	p2 =	por !p2, p0  }
0x20: {  	[sflag:s8] =	ssyncset.s32 @!p0 $0xFFFFF086;
	s6 =	sadd.s32 @!p0 s3, s7;
	s7 =	simm.s32 @!p0 $0x108  }
0x21: {  	s3 =	sadd.s32 s3, s9;
	s6 =	sadd.s32 @!p0 $0x88, s6;
	s7 =	simm.s32 @p2 $0x1082  }
0x22: {  	[simem:s7], [sflag:s8] =	dma.local @!p0 [hbm:s6], $0xF7A  }
0x23: {  	s9 =	sor.u32 $0xD0000000, s2;
	s6 =	simm.s32 $0x108;
	_ =	swait.ge @!p0 [sflag:s8], $0x0  }
0x24: {  	s3 =	sadd.s32 $0x88, s3;
	s6 =	simm.s32 @!p1 $0x1082;
	[sflag:s4] =	ssyncset.s32 $0xFFFFF086  }
0x25: {  	[simem:s6], [sflag:s4] =	dma.local [hbm:s3], $0xF7A  }
0x26: {  	[smem:$0x3F9D] =	sst s1;
	(tag) =	ssettag s2;
	_ =	strace s9  }
0x27: {  	s1 =	sld [smem:$0x3FAD]  }
0x28: {  	s2 =	sld [smem:$0x3FAE]  }
0x29: {  	s4 =	sld [smem:$0x3FB0]  }
0x2a: {  	p0 =	seq.s32 s5, $0x0;
	s5 =	sld [smem:$0x3FB1]  }
0x2b: {  	s6 =	sld [smem:$0x3FB2]  }
0x2c: {  	s7 =	sld [smem:$0x3FB3]  }
0x2d: {  	s3 =	simm.s32 $0x108;
	s8 =	sld [smem:$0x3FB4]  }
0x2e: {  	s3 =	simm.s32 @!p0 $0x1082;
	s9 =	sld [smem:$0x3FB5]  }
0x2f: {  	lr =	sadd.s32 s0, s3;
	s0 =	sld [smem:$0x3FAC]  }
0x30: {  	s3 =	sld [smem:$0x3FAF]  }
0x31: {  	[smem:$0x3FB8] =	sst s10  }
0x32: {  	s10 =	sld [smem:$0x3FB6];
	_ =	sdelay $0x3  }
0x33: {  	p0 =	seq.s32 s10, $0x1;
	s10 =	sld [smem:$0x3FB8];
	_ =	sdelay $0x3  }
0x34: {  	[smem:$0x3FB8] =	sst s10  }
0x35: {  	s10 =	sld [smem:$0x3FB7];
	_ =	sdelay $0x3  }
0x36: {  	p1 =	seq.s32 s10, $0x1;
	s10 =	sld [smem:$0x3FB8];
	_ =	sdelay $0x3  }
0x37: {  	[smem:$0x3FB8] =	sst s10  }
0x38: {  	s10 =	sld [smem:$0x3FB9]  }
0x39: {  	_ = 	snop;
	(pc) =	sbr.ind lr, $3  }
0x3a: {  	_ = 	snop  }
0x3b: {  	_ = 	snop  }
0x3c: {  	p2 =	seq.s32 s10, $0x1;
	s10 =	sld [smem:$0x3FB8]  }
0x3d: {  	_ =	shalt  }
0x3e: {  	_ =	shalt  }
0x3f: {  	_ =	shalt  }
0x40: {  	_ =	shalt  }
0x41: {  	_ =	shalt  }
0x42: {  	_ =	shalt  }
0x43: {  	_ =	shalt  }
0x44: {  	_ =	shalt  }
0x45: {  	_ =	shalt  }
0x46: {  	_ =	shalt  }
0x47: {  	_ =	shalt  }
0x48: {  	_ =	shalt  }
0x49: {  	_ =	shalt  }
0x4a: {  	_ =	shalt  }
0x4b: {  	_ =	shalt  }
0x4c: {  	_ =	shalt  }
0x4d: {  	_ =	shalt  }
0x4e: {  	_ =	shalt  }
0x4f: {  	_ =	shalt  }
0x50: {  	_ =	shalt  }
0x51: {  	_ =	shalt  }
0x52: {  	_ =	shalt  }
0x53: {  	_ =	shalt  }
0x54: {  	_ =	shalt  }
0x55: {  	_ =	shalt  }
0x56: {  	_ =	shalt  }
0x57: {  	_ =	shalt  }
0x58: {  	_ =	shalt  }
0x59: {  	_ =	shalt  }
0x5a: {  	_ =	shalt  }
0x5b: {  	_ =	shalt  }
0x5c: {  	_ =	shalt  }
0x5d: {  	_ =	shalt  }
0x5e: {  	_ =	shalt  }
0x5f: {  	_ =	shalt  }
0x60: {  	_ =	shalt  }
0x61: {  	_ =	shalt  }
0x62: {  	_ =	shalt  }
0x63: {  	_ =	shalt  }
0x64: {  	_ =	shalt  }
0x65: {  	_ =	shalt  }
0x66: {  	_ =	shalt  }
0x67: {  	_ =	shalt  }
0x68: {  	_ =	shalt  }
0x69: {  	_ =	shalt  }
0x6a: {  	_ =	shalt  }
0x6b: {  	_ =	shalt  }
0x6c: {  	_ =	shalt  }
0x6d: {  	_ =	shalt  }
0x6e: {  	_ =	shalt  }
0x6f: {  	_ =	shalt  }
0x70: {  	_ =	shalt  }
0x71: {  	_ =	shalt  }
0x72: {  	_ =	shalt  }
0x73: {  	_ =	shalt  }
0x74: {  	_ =	shalt  }
0x75: {  	_ =	shalt  }
0x76: {  	_ =	shalt  }
0x77: {  	_ =	shalt  }
0x78: {  	_ =	shalt  }
0x79: {  	_ =	shalt  }
0x7a: {  	_ =	shalt  }
0x7b: {  	_ =	shalt  }
0x7c: {  	_ =	shalt  }
0x7d: {  	_ =	shalt  }
0x7e: {  	_ =	shalt  }
0x7f: {  	_ =	shalt  }
0x80: {  	_ =	shalt  }
0x81: {  	_ =	shalt  }
0x82: {  	_ =	shalt  }
0x83: {  	_ =	shalt  }
0x84: {  	_ =	shalt  }
0x85: {  	_ =	shalt  }
0x86: {  	_ =	shalt  }
0x87: {  	_ =	shalt  }
.Lfunc_end0:
.L_simem_size_0:
called_computation_lowered:
.L_overlay_start_0:
0x88: {  	s2 =	sld [smem:$0x3FD9]  }
0x89: {  	s3 =	sld [smem:$0x3FFE];
	_ =	sdelay $0x1  }
0x8a: {  	s1 =	srdreg.scid  }
0x8b: {  	s0 =	sand.u32 $0x1, s1  }
0x8c: {  	s17 =	sshll.u32 s0, $0xA;
	s2 =	sadd.s32 s3, s2  }
0x8d: {  	s2 =	sadd.s32 s2, s17  }
0x8e: {  	[smem:$0x3FC4] =	sst s2  }
0x8f: {  	_ = 	snop  }
0x90: {  	s2 =	sld [smem:$0x3FC9]  }
0x91: {  	s18 =	sld [smem:$0x3FC8]  }
0x92: {  	s4 =	sld [smem:$0x3FC7]  }
0x93: {  	s5 =	sld [smem:$0x3FC6];
	(tm) =	ssettm $0x1  }
0x94: {  	s6 =	sld [smem:$0x3FFB];
	_ =	sdelay $0x3  }
0x95: {  	_ =	strace s6  }
0x96: {  	s6 =	sld [smem:$0x3FFC];
	_ =	sdelay $0x3  }
0x97: {  	_ =	strace s6  }
0x98: {  	s6 =	sld [smem:$0x3FFD];
	_ =	sdelay $0x3  }
0x99: {  	_ =	strace s6  }
0x9a: {  	_ =	strace $0x8FFFFFFF  }
0x9b: {  	s19 =	sld [smem:$0x3FDB];
	_ =	sdelay $0x1  }
0x9c: {  	s7 =	simm.s32 $_scs_section_size  }
0x9d: {  	s8 =	simm.s32 $_size__tile_overlayer_lowered;
	s9 =	simm.s32 $_tile_overlayer_lowered  }
0x9e: {  	s22 =	simm.s32 $0x1BFF;
	s21 =	sshll.u32 s9, $0x1;
	s6 =	sadd.s32 s7, s19  }
0x9f: {  	s10 =	simm.s32 $0x0;
	s20 =	sshll.u32 s8, $0x1;
	s8 =	sadd.s32 s21, s6  }
0xa0: {  	[timem:s10], [sflag:s22] =	dma.local [hbm:s8], s20  }
0xa1: {  	_ =	swait.ge [sflag:s22], s20  }
0xa2: {  	s7 =	ssub.s32 $0x0, s20;
	[sflag:s22] =	ssyncset.done $0x0  }
0xa3: {  	[sflag:s22] =	ssyncadd.s32 s7;
	_ =	sdelay $0x1  }
0xa4: {  	s23 =	simm.s32 $0x1B8B  }
0xa5: {  	_ =	swait.ge [sflag:s23], $0x1  }
0xa6: {  	[sflag:s23] =	ssyncset.done $0x0  }
0xa7: {  	s25 =	simm.s32 $0x1B8E;
	s24 =	sld [smem:$0x3FFE];
	[sflag:s23] =	ssyncadd.s32 $0xFFFFFFFF  }
0xa8: {  	s26 =	simm.s32 $execute0_lowered;
	[smem:$0x3FD2] =	sst s25  }
0xa9: {  	s8 =	sshll.u32 s26, $0x1;
	_ =	strace $0x80000046;
	[dreg:$0x1] =	wrdreg $0xFFFFFFFF  }
0xaa: {  	s28 =	simm.s32 $_size_execute0_lowered;
	s6 =	sadd.s32 s6, s8;
	[dreg:$0x0] =	wrdreg $0x0  }
0xab: {  	s8 =	sshll.u32 s28, $0x1;
	[dreg:$0x2] =	wrdreg s6  }
0xac: {  	[dreg:$0x3] =	wrdreg s8  }
0xad: {  	[dreg:$0x4] =	wrdreg $0xC0  }
0xae: {  	_ =	task [dreg:s10], $0x5FFFF  }
0xaf: {  	[dreg:$0x1] =	wrdreg $0xFFFFFFFF  }
0xb0: {  	[dreg:$0x0] =	wrdreg $0x60  }
0xb1: {  	[dreg:$0x2] =	wrdreg s2  }
0xb2: {  	[dreg:$0x3] =	wrdreg s18  }
0xb3: {  	[dreg:$0x4] =	wrdreg s4  }
0xb4: {  	[dreg:$0x5] =	wrdreg s5  }
0xb5: {  	[dreg:$0x6] =	wrdreg s24  }
0xb6: {  	[dreg:$0x7] =	wrdreg $0x9  }
0xb7: {  	_ =	task.clear_ibuf [dreg:s10], $0x8FFFF;
	_ =	strace $0x90000046  }
0xb8: {  	s29 =	simm.s32 $0x9;
	_ =	strace $0x80000048  }
0xb9: {  	_ =	swait.ge [sflag:s29], $0x1  }
0xba: {  	[sflag:s29] =	ssyncadd.s32 $0xFFFFFFFF  }
0xbb: {  	_ =	strace $0x90000048  }
0xbc: {  	_ =	sfence  }
0xbd: {  	s30 =	sld [smem:$0x0];
	_ =	sdelay $0x2  }
0xbe: {  	s31 =	sshll.u32 s1, $0xD;
	s1 =	sshrl.u32 s1, $0x2  }
0xbf: {  	s3 =	sand.u32 $0x4000, s31;
	s1 =	sadd.s32 s1, s30  }
0xc0: {  	s0 =	sor.u32 s3, s0;
	s1 =	sshll.u32 s1, $0x11  }
0xc1: {  	s0 =	sor.u32 s1, s0  }
0xc2: {  	s0 =	sadd.s32 $0x8F2B, s0  }
0xc3: {  	[sflag:s0] =	ssyncadd.remote.s32 $0x1  }
0xc4: {  	_ =	sfence.sel $0xFFFF  }
0xc5: {  	[dreg:$0x0] =	wrdreg $0xFFFFFFFF;
	(pc) =	sbr.abs _section_cstart, $3  }
0xc6: {  	[dreg:$0x1] =	wrdreg $0xFFFFFFFF  }
0xc7: {  	_ =	task.clear_ibuf [dreg:s10], $0x2FFFF;
	_ =	strace $0x9FFFFFFF  }
0xc8: {  	(tm) =	ssettm $0x7FFFFFFF  }
0xc9: {  	_ =	shalt  }
tec
execute0_lowered:
.L_overlay_start_1:
0x0: {  	(tag) =	ssettag $0x1  }
0x1: {  	s2 =	rddreg [dreg:$0x1]  }
0x2: {  	s3 =	rddreg [dreg:$0x2];
	s0 =	srdreg.scid  }
0x3: {  	s1 =	stileid.u32;
	s5 =	rddreg [dreg:$0x3]  }
0x4: {  	s4 =	rddreg [dreg:$0x4];
	s7 =	simm.s32 $0x0;
	s21 =	simm.s32 $0x4  }
0x5: {  	s31 =	simm.s32 $0x5000;
	s0 =	sand.u32 $0x1, s0;
	s1 =	sshll.u32 s1, $0x1  }
0x6: {  	s22 =	simm.s32 $0x5800;
	s23 =	simm.s32 $0x0;
	s1 =	sor.u32 s0, s1  }
0x7: {  	[smem:$0x7FF] =	sst s7;
	s0 =	ssub.s32 $0x2, s0;
	s6 =	smul.u32 $0x81, s1  }
0x8: {  	_ =	strace $0x80000047;
	s11 =	smul.u32 $0x8100, s1;
	s8 =	sshrl.u32 s0, $0x1  }
0x9: {  	s10 =	smul.u32 $0x40800, s1;
	s1 =	sshll.u32 s1, $0x4;
	s0 =	ssub.s32 s0, s8  }
0xa: {  	s19 =	sadd.s32 s4, s1;
	s4 =	simm.s32 $0x1;
	s1 =	simm.s32 $0x3  }
0xb: {  	s30 =	sxor.u32 $0xFFF, s6;
	s9 =	sadd.s32 s2, s11;
	s14 =	sshrl.u32 s10, $0x3  }
0xc: {  	s10 =	sadd.s32 s3, s11;
	s11 =	sadd.s32 s5, s11;
	s20 =	smax.u32 s0, $0x1  }
0xd: {  	s0 =	simm.s32 $0x2;
	s8 =	smin.u32 s30, $0x81;
	s15 =	sadd.s32 $0x100, s14  }
0xe: {  	s17 =	sadd.s32 $0x200, s14;
	s12 =	sadd.s32 s2, s15;
	s18 =	smul.u32 $0xAB, s8  }
0xf: {  	s13 =	sadd.s32 s3, s15;
	s14 =	sadd.s32 s5, s15;
	s15 =	sadd.s32 s2, s17  }
0x10: {  	s16 =	sadd.s32 s3, s17;
	s17 =	sadd.s32 s5, s17;
	s18 =	sshrl.u32 s18, $0x9  }
.LBB2_1:
0x11: {  	s24 =	rddreg [dreg:$0x0]  }
0x12: {  	[tilespmem:s7], [sflag:$0x4] =	stream.linear.gather [hbm4b:s24+s7], $0x1000, $0x38;
	[tilespmem:$0x5880] =	vst v63  }
0x13: {  	_ =	swait.ge [sflag:s21], $0x1000  }
0x14: {  	[sflag:s21] =	ssyncset.done $0x0  }
0x15: {  	s28 =	simm.s32 $0x1000;
	[sflag:s21] =	ssyncadd.s32 $0xFFFFF000  }
0x16: {  	[tilespmem:s28], [sflag:$0x1] =	stream.linear.gather [hbm4b:s9+s7], $0x800, $0x38;
	[tilespmem:$0x5880] =	vst v63  }
0x17: {  	s29 =	simm.s32 $0x1800  }
0x18: {  	[tilespmem:s29], [sflag:$0x1] =	stream.linear.gather [hbm4b:s10+s7], $0x800, $0x38;
	[tilespmem:$0x5880] =	vst v63  }
0x19: {  	s30 =	simm.s32 $0x4000  }
0x1a: {  	[tilespmem:s30], [sflag:$0x1] =	stream.linear.gather [hbm4b:s11+s7], $0x800, $0x38;
	[tilespmem:$0x5880] =	vst v63  }
0x1b: {  	s25 =	simm.s32 $0x2000  }
0x1c: {  	[tilespmem:s25], [sflag:$0x2] =	stream.linear.gather [hbm4b:s12+s7], $0x800, $0x38;
	[tilespmem:$0x5880] =	vst v63  }
0x1d: {  	s26 =	simm.s32 $0x2800  }
0x1e: {  	[tilespmem:s26], [sflag:$0x2] =	stream.linear.gather [hbm4b:s13+s7], $0x800, $0x38;
	[tilespmem:$0x5880] =	vst v63  }
0x1f: {  	s28 =	simm.s32 $0x4800  }
0x20: {  	[tilespmem:s28], [sflag:$0x2] =	stream.linear.gather [hbm4b:s14+s7], $0x800, $0x38;
	[tilespmem:$0x5880] =	vst v63  }
0x21: {  	s29 =	simm.s32 $0x3000  }
0x22: {  	[tilespmem:s29], [sflag:$0x3] =	stream.linear.gather [hbm4b:s15+s7], $0x800, $0x38;
	[tilespmem:$0x5880] =	vst v63  }
0x23: {  	s30 =	simm.s32 $0x3800  }
0x24: {  	v0 =	vimm.f32 $0.0e+00;
	v1 =	vimm.f32 $0.0e+00;
	[tilespmem:s30], [sflag:$0x3] =	stream.linear.gather [hbm4b:s16+s7], $0x800, $0x38;
	[tilespmem:$0x5880] =	vst v63  }
0x25: {  	v2 =	vimm.f32 $0.0e+00;
	v3 =	vimm.f32 $0.0e+00;
	v4 =	vimm.f32 $0.0e+00;
	s24 =	simm.s32 $0x0  }
0x26: {  	v5 =	vimm.f32 $0.0e+00;
	v7 =	vimm.f32 $0.0e+00;
	v9 =	vimm.f32 $0.0e+00;
	[tilespmem:s31], [sflag:$0x3] =	stream.linear.gather [hbm4b:s17+s7], $0x800, $0x38;
	[tilespmem:$0x5880] =	vst v63  }
.LBB2_2:
0x27: {  	_ =	swait.ge [sflag:s4], $0x800  }
0x28: {  	[sflag:s4] =	ssyncset.done $0x0  }
0x29: {  	[sflag:s4] =	ssyncadd.s32 $0xFFFFF800  }
0x2a: {  	_ =	swait.ge [sflag:s4], $0x800  }
0x2b: {  	[sflag:s4] =	ssyncset.done $0x0  }
0x2c: {  	[sflag:s4] =	ssyncadd.s32 $0xFFFFF800  }
0x2d: {  	_ =	swait.ge [sflag:s4], $0x800  }
0x2e: {  	[sflag:s4] =	ssyncset.done $0x0  }
0x2f: {  	s28 =	simm.s32 $0x4080;
	[sflag:s4] =	ssyncadd.s32 $0xFFFFF800  }
0x30: {  	v8 =	vld [tilespmem:s28+$0x0]  }
0x31: {  	v11 =	vld [tilespmem:s28+$0x10]  }
0x32: {  	v12 =	vld [tilespmem:s28+$0x20]  }
0x33: {  	s25 =	simm.s32 $0x1800;
	v14 =	vld [tilespmem:s28+$0x30]  }
0x34: {  	v6 =	vld [tilespmem:s25+$0xFFFFF880]  }
0x35: {  	v10 =	vld [tilespmem:s25+$0x80]  }
0x36: {  	v13 =	vld [tilespmem:s25+$0xFFFFF890]  }
0x37: {  	v15 =	vld [tilespmem:s25+$0x90]  }
0x38: {  	v16 =	vld [tilespmem:s25+$0xFFFFF8A0]  }
0x39: {  	v17 =	vld [tilespmem:s25+$0xA0]  }
0x3a: {  	v18 =	vld [tilespmem:s25+$0xFFFFF8B0]  }
0x3b: {  	v19 =	vld [tilespmem:s25+$0xB0]  }
0x3c: {  	v20 =	vld [tilespmem:s25+$0xFFFFF8C0]  }
0x3d: {  	v21 =	vld [tilespmem:s25+$0xC0]  }
0x3e: {  	v22 =	vld [tilespmem:s25+$0xFFFFF8D0]  }
0x3f: {  	v23 =	vld [tilespmem:s25+$0xD0]  }
0x40: {  	v24 =	vld [tilespmem:s25+$0xFFFFF8E0]  }
0x41: {  	v25 =	vld [tilespmem:s25+$0xE0]  }
0x42: {  	v26 =	vld [tilespmem:s25+$0xFFFFF8F0]  }
0x43: {  	v27 =	vld [tilespmem:s25+$0xF0]  }
0x44: {  	v28 =	vld [tilespmem:s25+$0xFFFFF800]  }
0x45: {  	v29 =	vld [tilespmem:s25+$0x0]  }
0x46: {  	v30 =	vld [tilespmem:s25+$0xFFFFF810]  }
0x47: {  	v31 =	vld [tilespmem:s25+$0x10]  }
0x48: {  	v32 =	vld [tilespmem:s25+$0xFFFFF820]  }
0x49: {  	v33 =	vld [tilespmem:s25+$0x20]  }
0x4a: {  	v34 =	vld [tilespmem:s25+$0xFFFFF830]  }
0x4b: {  	v35 =	vld [tilespmem:s25+$0x30]  }
0x4c: {  	v36 =	vld [tilespmem:s25+$0xFFFFF840]  }
0x4d: {  	v37 =	vld [tilespmem:s25+$0x40]  }
0x4e: {  	v38 =	vld [tilespmem:s25+$0xFFFFF850]  }
0x4f: {  	v39 =	vld [tilespmem:s25+$0x50]  }
0x50: {  	v40 =	vld [tilespmem:s25+$0xFFFFF860]  }
0x51: {  	v41 =	vld [tilespmem:s25+$0x60]  }
0x52: {  	v42 =	vld [tilespmem:s25+$0xFFFFF870]  }
0x53: {  	v43 =	vld [tilespmem:s25+$0x70]  }
0x54: {  	v45 =	vld [tilespmem:s28+$0x40]  }
0x55: {  	v62 =	vld [tilespmem:s28+$0xFFFFFFB0]  }
0x56: {  	v6 =	vld.idx.msk [tilespmem:v6+s7+$0x0], $0xffff  }
0x57: {  	v10 =	vld.idx.msk [tilespmem:v10+s7+$0x0], $0xffff  }
0x58: {  	v13 =	vld.idx.msk [tilespmem:v13+s7+$0x0], $0xffff  }
0x59: {  	v15 =	vld.idx.msk [tilespmem:v15+s7+$0x0], $0xffff  }
0x5a: {  	v16 =	vld.idx.msk [tilespmem:v16+s7+$0x0], $0xffff  }
0x5b: {  	v17 =	vld.idx.msk [tilespmem:v17+s7+$0x0], $0xffff  }
0x5c: {  	v18 =	vld.idx.msk [tilespmem:v18+s7+$0x0], $0xffff  }
0x5d: {  	v19 =	vld.idx.msk [tilespmem:v19+s7+$0x0], $0xffff  }
0x5e: {  	v20 =	vld.idx.msk [tilespmem:v20+s7+$0x0], $0xffff  }
0x5f: {  	v21 =	vld.idx.msk [tilespmem:v21+s7+$0x0], $0xffff  }
0x60: {  	v22 =	vld.idx.msk [tilespmem:v22+s7+$0x0], $0xffff  }
0x61: {  	v23 =	vld.idx.msk [tilespmem:v23+s7+$0x0], $0xffff  }
0x62: {  	v24 =	vld.idx.msk [tilespmem:v24+s7+$0x0], $0xffff  }
0x63: {  	v25 =	vld.idx.msk [tilespmem:v25+s7+$0x0], $0xffff  }
0x64: {  	v26 =	vld.idx.msk [tilespmem:v26+s7+$0x0], $0xffff  }
0x65: {  	v27 =	vld.idx.msk [tilespmem:v27+s7+$0x0], $0xffff  }
0x66: {  	v28 =	vld.idx.msk [tilespmem:v28+s7+$0x0], $0xffff  }
0x67: {  	v29 =	vld.idx.msk [tilespmem:v29+s7+$0x0], $0xffff  }
0x68: {  	v30 =	vld.idx.msk [tilespmem:v30+s7+$0x0], $0xffff  }
0x69: {  	v31 =	vld.idx.msk [tilespmem:v31+s7+$0x0], $0xffff  }
0x6a: {  	v32 =	vld.idx.msk [tilespmem:v32+s7+$0x0], $0xffff  }
0x6b: {  	v33 =	vld.idx.msk [tilespmem:v33+s7+$0x0], $0xffff  }
0x6c: {  	v34 =	vld.idx.msk [tilespmem:v34+s7+$0x0], $0xffff  }
0x6d: {  	v35 =	vld.idx.msk [tilespmem:v35+s7+$0x0], $0xffff  }
0x6e: {  	v36 =	vld.idx.msk [tilespmem:v36+s7+$0x0], $0xffff  }
0x6f: {  	v37 =	vld.idx.msk [tilespmem:v37+s7+$0x0], $0xffff  }
0x70: {  	v38 =	vld.idx.msk [tilespmem:v38+s7+$0x0], $0xffff  }
0x71: {  	v39 =	vld.idx.msk [tilespmem:v39+s7+$0x0], $0xffff  }
0x72: {  	v40 =	vld.idx.msk [tilespmem:v40+s7+$0x0], $0xffff;
	v44 =	vmul.f32 v10, v6;
	v13 =	vmul.f32 v15, v13  }
0x73: {  	v41 =	vld.idx.msk [tilespmem:v41+s7+$0x0], $0xffff;
	v16 =	vmul.f32 v17, v16;
	v61 =	vmul.f32 v19, v18  }
0x74: {  	v42 =	vld.idx.msk [tilespmem:v42+s7+$0x0], $0xffff;
	v46 =	vmul.f32 v21, v20;
	v22 =	vmul.f32 v23, v22  }
0x75: {  	v15 =	vld.idx.msk [tilespmem:v43+s7+$0x0], $0xffff;
	v10 =	vmul.f32 v25, v24;
	v6 =	vmul.f32 v27, v26  }
0x76: {  	v23 =	vld [tilespmem:s28+$0x50];
	v25 =	vmul.f32 v29, v28;
	v26 =	vmul.f32 v31, v30  }
0x77: {  	v24 =	vld [tilespmem:s28+$0xFFFFFF80];
	v28 =	vmul.f32 v33, v32;
	v29 =	vmul.f32 v35, v34  }
0x78: {  	v27 =	vld [tilespmem:s28+$0xFFFFFF90];
	v31 =	vmul.f32 v37, v36;
	v20 =	vmul.f32 v39, v38  }
0x79: {  	v30 =	vld [tilespmem:s28+$0xFFFFFFA0];
	v21 =	vmul.f32 v41, v40;
	v18 =	vmul.f32 v8, v44  }
0x7a: {  	v63 =	vld [tilespmem:s28+$0xFFFFFFC0];
	v17 =	vmul.f32 v11, v13;
	v16 =	vmul.f32 v12, v16  }
0x7b: {  	v13 =	vld [tilespmem:s28+$0xFFFFFFD0];
	v11 =	vmul.f32 v45, v46;
	v19 =	vmul.f32 v15, v42  }
0x7c: {  	v15 =	vmul.f32 v14, v61;
	v14 =	vld [tilespmem:s28+$0xFFFFFFE0];
	v8 =	vmul.f32 v23, v22  }
0x7d: {  	v12 =	vmul.f32 v24, v25;
	v22 =	vmul.f32 v27, v26;
	v24 =	vld [tilespmem:s28+$0xFFFFFFF0]  }
0x7e: {  	v28 =	vmul.f32 v30, v28;
	v27 =	vmul.f32 v62, v29;
	v23 =	vld [tilespmem:s28+$0x60]  }
0x7f: {  	s26 =	simm.s32 $0x0;
	v25 =	vld [tilespmem:s28+$0x70];
	s28 =	simm.s32 $0x4180;
	v26 =	vadd.f32 v12, v9;
	v9 =	vadd.f32 v22, v7;
	v22 =	vmul.f32 v63, v31  }
.LBB2_3:
0x80: {  	v12 =	vld [tilespmem:s28+$0x0];
	v5 =	vadd.f32 v28, v5;
	v4 =	vadd.f32 v27, v4;
	v20 =	vmul.f32 v13, v20  }
0x81: {  	v13 =	vld [tilespmem:s28+$0x10];
	v21 =	vmul.f32 v14, v21;
	v7 =	vadd.f32 v18, v26;
	v9 =	vadd.f32 v17, v9  }
0x82: {  	v14 =	vld [tilespmem:s28+$0x20];
	v17 =	vmul.f32 v24, v19;
	v5 =	vadd.f32 v16, v5;
	v4 =	vadd.f32 v15, v4  }
0x83: {  	s25 =	sadd.s32 $0x100, s25;
	v3 =	vadd.f32 v22, v3;
	v2 =	vadd.f32 v20, v2;
	v15 =	vld [tilespmem:s28+$0x30];
	v10 =	vmul.f32 v23, v10  }
0x84: {  	v1 =	vadd.f32 v21, v1;
	v16 =	vld [tilespmem:s25+$0xFFFFF880];
	v0 =	vadd.f32 v17, v0;
	v6 =	vmul.f32 v25, v6  }
0x85: {  	v3 =	vadd.f32 v11, v3;
	v2 =	vadd.f32 v8, v2;
	v17 =	vld [tilespmem:s25+$0x80]  }
0x86: {  	v1 =	vadd.f32 v10, v1;
	v8 =	vld [tilespmem:s25+$0xFFFFF890];
	v0 =	vadd.f32 v6, v0  }
0x87: {  	v6 =	vld [tilespmem:s25+$0x90]  }
0x88: {  	v10 =	vld [tilespmem:s25+$0xFFFFF8A0]  }
0x89: {  	v11 =	vld [tilespmem:s25+$0xA0]  }
0x8a: {  	v18 =	vld [tilespmem:s25+$0xFFFFF8B0]  }
0x8b: {  	v19 =	vld [tilespmem:s25+$0xB0]  }
0x8c: {  	v20 =	vld [tilespmem:s25+$0xFFFFF8C0]  }
0x8d: {  	v21 =	vld [tilespmem:s25+$0xC0]  }
0x8e: {  	v22 =	vld [tilespmem:s25+$0xFFFFF8D0]  }
0x8f: {  	v23 =	vld [tilespmem:s25+$0xD0]  }
0x90: {  	v24 =	vld [tilespmem:s25+$0xFFFFF8E0]  }
0x91: {  	v25 =	vld [tilespmem:s25+$0xE0]  }
0x92: {  	v26 =	vld [tilespmem:s25+$0xFFFFF8F0]  }
0x93: {  	v27 =	vld [tilespmem:s25+$0xF0]  }
0x94: {  	v28 =	vld [tilespmem:s25+$0xFFFFF800]  }
0x95: {  	v29 =	vld [tilespmem:s25+$0x0]  }
0x96: {  	v30 =	vld [tilespmem:s25+$0xFFFFF810]  }
0x97: {  	v31 =	vld [tilespmem:s25+$0x10]  }
0x98: {  	v32 =	vld [tilespmem:s25+$0xFFFFF820]  }
0x99: {  	v33 =	vld [tilespmem:s25+$0x20]  }
0x9a: {  	v34 =	vld [tilespmem:s25+$0xFFFFF830]  }
0x9b: {  	v35 =	vld [tilespmem:s25+$0x30]  }
0x9c: {  	v36 =	vld [tilespmem:s25+$0xFFFFF840]  }
0x9d: {  	v37 =	vld [tilespmem:s25+$0x40]  }
0x9e: {  	v38 =	vld [tilespmem:s25+$0xFFFFF850]  }
0x9f: {  	v39 =	vld [tilespmem:s25+$0x50]  }
0xa0: {  	v40 =	vld [tilespmem:s25+$0xFFFFF860]  }
0xa1: {  	v41 =	vld [tilespmem:s25+$0x60]  }
0xa2: {  	v42 =	vld [tilespmem:s25+$0xFFFFF870]  }
0xa3: {  	v43 =	vld [tilespmem:s25+$0x70]  }
0xa4: {  	v16 =	vld.idx.msk [tilespmem:v16+s7+$0x0], $0xffff  }
0xa5: {  	v17 =	vld.idx.msk [tilespmem:v17+s7+$0x0], $0xffff  }
0xa6: {  	v8 =	vld.idx.msk [tilespmem:v8+s7+$0x0], $0xffff  }
0xa7: {  	v6 =	vld.idx.msk [tilespmem:v6+s7+$0x0], $0xffff  }
0xa8: {  	v10 =	vld.idx.msk [tilespmem:v10+s7+$0x0], $0xffff  }
0xa9: {  	v11 =	vld.idx.msk [tilespmem:v11+s7+$0x0], $0xffff  }
0xaa: {  	v18 =	vld.idx.msk [tilespmem:v18+s7+$0x0], $0xffff  }
0xab: {  	v19 =	vld.idx.msk [tilespmem:v19+s7+$0x0], $0xffff  }
0xac: {  	v20 =	vld.idx.msk [tilespmem:v20+s7+$0x0], $0xffff  }
0xad: {  	v21 =	vld.idx.msk [tilespmem:v21+s7+$0x0], $0xffff  }
0xae: {  	v22 =	vld.idx.msk [tilespmem:v22+s7+$0x0], $0xffff  }
0xaf: {  	v23 =	vld.idx.msk [tilespmem:v23+s7+$0x0], $0xffff  }
0xb0: {  	v24 =	vld.idx.msk [tilespmem:v24+s7+$0x0], $0xffff  }
0xb1: {  	v25 =	vld.idx.msk [tilespmem:v25+s7+$0x0], $0xffff  }
0xb2: {  	v26 =	vld.idx.msk [tilespmem:v26+s7+$0x0], $0xffff  }
0xb3: {  	v27 =	vld.idx.msk [tilespmem:v27+s7+$0x0], $0xffff  }
0xb4: {  	v28 =	vld.idx.msk [tilespmem:v28+s7+$0x0], $0xffff  }
0xb5: {  	v29 =	vld.idx.msk [tilespmem:v29+s7+$0x0], $0xffff  }
0xb6: {  	v30 =	vld.idx.msk [tilespmem:v30+s7+$0x0], $0xffff  }
0xb7: {  	v31 =	vld.idx.msk [tilespmem:v31+s7+$0x0], $0xffff  }
0xb8: {  	v32 =	vld.idx.msk [tilespmem:v32+s7+$0x0], $0xffff  }
0xb9: {  	v33 =	vld.idx.msk [tilespmem:v33+s7+$0x0], $0xffff  }
0xba: {  	v34 =	vld.idx.msk [tilespmem:v34+s7+$0x0], $0xffff  }
0xbb: {  	v35 =	vld.idx.msk [tilespmem:v35+s7+$0x0], $0xffff  }
0xbc: {  	v36 =	vld.idx.msk [tilespmem:v36+s7+$0x0], $0xffff  }
0xbd: {  	v37 =	vld.idx.msk [tilespmem:v37+s7+$0x0], $0xffff  }
0xbe: {  	v38 =	vld.idx.msk [tilespmem:v38+s7+$0x0], $0xffff  }
0xbf: {  	v39 =	vld.idx.msk [tilespmem:v39+s7+$0x0], $0xffff  }
0xc0: {  	v40 =	vld.idx.msk [tilespmem:v40+s7+$0x0], $0xffff  }
0xc1: {  	v41 =	vld.idx.msk [tilespmem:v41+s7+$0x0], $0xffff  }
0xc2: {  	s26 =	sadd.s32 $0x2, s26;
	v16 =	vmul.f32 v17, v16;
	v8 =	vmul.f32 v6, v8;
	v42 =	vld.idx.msk [tilespmem:v42+s7+$0x0], $0xffff  }
0xc3: {  	p0 =	slt.u32 s26, $0xE;
	v11 =	vmul.f32 v11, v10;
	v17 =	vld.idx.msk [tilespmem:v43+s7+$0x0], $0xffff;
	v43 =	vmul.f32 v19, v18  }
0xc4: {  	v45 =	vmul.f32 v21, v20;
	v22 =	vmul.f32 v23, v22;
	v44 =	vld [tilespmem:s28+$0x40]  }
0xc5: {  	v10 =	vmul.f32 v25, v24;
	v6 =	vmul.f32 v27, v26;
	v23 =	vld [tilespmem:s28+$0x50]  }
0xc6: {  	v25 =	vmul.f32 v29, v28;
	v26 =	vmul.f32 v31, v30;
	v24 =	vld [tilespmem:s28+$0xFFFFFF80]  }
0xc7: {  	v28 =	vmul.f32 v33, v32;
	v29 =	vmul.f32 v35, v34;
	v27 =	vld [tilespmem:s28+$0xFFFFFF90]  }
0xc8: {  	v31 =	vmul.f32 v37, v36;
	v20 =	vmul.f32 v39, v38;
	v30 =	vld [tilespmem:s28+$0xFFFFFFA0]  }
0xc9: {  	v21 =	vmul.f32 v41, v40;
	v19 =	vmul.f32 v17, v42;
	v32 =	vld [tilespmem:s28+$0xFFFFFFB0]  }
0xca: {  	v18 =	vmul.f32 v12, v16;
	v17 =	vmul.f32 v13, v8;
	v33 =	vld [tilespmem:s28+$0xFFFFFFC0]  }
.Ltmp0:
0xcb: {  	v16 =	vmul.f32 v14, v11;
	v15 =	vmul.f32 v15, v43;
	v13 =	vld [tilespmem:s28+$0xFFFFFFD0];
	(pc) =	sbr.rel @p0 .LBB2_3-.Ltmp0, $4  }
0xcc: {  	v11 =	vmul.f32 v44, v45;
	v8 =	vmul.f32 v23, v22;
	v14 =	vld [tilespmem:s28+$0xFFFFFFE0]  }
0xcd: {  	v12 =	vmul.f32 v24, v25;
	v22 =	vmul.f32 v27, v26;
	v24 =	vld [tilespmem:s28+$0xFFFFFFF0]  }
0xce: {  	v28 =	vmul.f32 v30, v28;
	v27 =	vmul.f32 v32, v29;
	v23 =	vld [tilespmem:s28+$0x60]  }
0xcf: {  	v26 =	vadd.f32 v12, v7;
	v9 =	vadd.f32 v22, v9;
	v22 =	vmul.f32 v33, v31;
	v25 =	vld [tilespmem:s28+$0x70];
	s28 =	sadd.s32 $0x100, s28  }
0xd0: {  	s25 =	smul.u32 $0x3, s24;
	_ =	sdelay $0x1  }
0xd1: {  	s26 =	sadd.s32 $0x3, s25  }
0xd2: {  	p0 =	sge.u32 s26, s8  }
0xd3: {  	s26 =	sadd.s32 @!p0 s6, s26  }
0xd4: {  	s26 =	sshll.u32 @!p0 s26, $0x8  }
0xd5: {  	s26 =	sand.u32 @!p0 $0x1FFFFF00, s26  }
0xd6: {  	s29 =	simm.s32 @!p0 $0x0;
	s30 =	simm.s32 @!p0 $0x1000;
	s28 =	sadd.s32 @!p0 s2, s26  }
0xd7: {  	[tilespmem:s30], [sflag:$0x1] =	stream.linear.gather @!p0 [hbm4b:s28+s29], $0x800, $0x38;
	[tilespmem:$0x5880] =	vst v63  }
0xd8: {  	s28 =	sadd.s32 @!p0 s3, s26;
	s30 =	simm.s32 @!p0 $0x1800  }
0xd9: {  	[tilespmem:s30], [sflag:$0x1] =	stream.linear.gather @!p0 [hbm4b:s28+s29], $0x800, $0x38;
	[tilespmem:$0x5880] =	vst v63  }
0xda: {  	s26 =	sadd.s32 @!p0 s5, s26;
	s28 =	simm.s32 @!p0 $0x4000  }
0xdb: {  	[tilespmem:s28], [sflag:$0x1] =	stream.linear.gather @!p0 [hbm4b:s26+s29], $0x800, $0x38;
	[tilespmem:$0x5880] =	vst v63  }
0xdc: {  	_ =	swait.ge [sflag:s0], $0x800  }
0xdd: {  	[sflag:s0] =	ssyncset.done $0x0  }
0xde: {  	[sflag:s0] =	ssyncadd.s32 $0xFFFFF800  }
0xdf: {  	_ =	swait.ge [sflag:s0], $0x800  }
0xe0: {  	[sflag:s0] =	ssyncset.done $0x0  }
0xe1: {  	[sflag:s0] =	ssyncadd.s32 $0xFFFFF800  }
0xe2: {  	_ =	swait.ge [sflag:s0], $0x800  }
0xe3: {  	[sflag:s0] =	ssyncset.done $0x0  }
0xe4: {  	s29 =	simm.s32 $0x4880;
	[sflag:s0] =	ssyncadd.s32 $0xFFFFF800  }
0xe5: {  	v12 =	vld [tilespmem:s29+$0x0]  }
0xe6: {  	v29 =	vld [tilespmem:s29+$0x10]  }
0xe7: {  	v30 =	vld [tilespmem:s29+$0x20]  }
0xe8: {  	s26 =	simm.s32 $0x2800;
	v31 =	vld [tilespmem:s29+$0x30]  }
0xe9: {  	v7 =	vld [tilespmem:s26+$0xFFFFF880]  }
0xea: {  	v32 =	vld [tilespmem:s26+$0x80]  }
0xeb: {  	v33 =	vld [tilespmem:s26+$0xFFFFF890]  }
0xec: {  	v34 =	vld [tilespmem:s26+$0x90]  }
0xed: {  	v35 =	vld [tilespmem:s26+$0xFFFFF8A0]  }
0xee: {  	v36 =	vld [tilespmem:s26+$0xA0]  }
0xef: {  	v37 =	vld [tilespmem:s26+$0xFFFFF8B0]  }
0xf0: {  	v38 =	vld [tilespmem:s26+$0xB0]  }
0xf1: {  	v39 =	vld [tilespmem:s26+$0xFFFFF8C0]  }
0xf2: {  	v40 =	vld [tilespmem:s26+$0xC0]  }
0xf3: {  	v41 =	vld [tilespmem:s26+$0xFFFFF8D0]  }
0xf4: {  	v42 =	vld [tilespmem:s26+$0xD0]  }
0xf5: {  	v43 =	vld [tilespmem:s26+$0xFFFFF8E0]  }
0xf6: {  	v44 =	vld [tilespmem:s26+$0xE0]  }
0xf7: {  	v45 =	vld [tilespmem:s26+$0xFFFFF8F0]  }
0xf8: {  	v46 =	vld [tilespmem:s26+$0xF0]  }
0xf9: {  	v47 =	vld [tilespmem:s26+$0xFFFFF800]  }
0xfa: {  	v48 =	vld [tilespmem:s26+$0x0]  }
0xfb: {  	v49 =	vld [tilespmem:s26+$0xFFFFF810]  }
0xfc: {  	v50 =	vld [tilespmem:s26+$0x10]  }
0xfd: {  	v51 =	vld [tilespmem:s26+$0xFFFFF820]  }
0xfe: {  	v52 =	vld [tilespmem:s26+$0x20]  }
0xff: {  	v53 =	vld [tilespmem:s26+$0xFFFFF830]  }
0x100: {  	v54 =	vld [tilespmem:s26+$0x30]  }
0x101: {  	v55 =	vld [tilespmem:s26+$0xFFFFF840]  }
0x102: {  	v56 =	vld [tilespmem:s26+$0x40]  }
0x103: {  	v57 =	vld [tilespmem:s26+$0xFFFFF850]  }
0x104: {  	v58 =	vld [tilespmem:s26+$0x50]  }
0x105: {  	v59 =	vld [tilespmem:s26+$0xFFFFF860]  }
0x106: {  	v60 =	vld [tilespmem:s26+$0x60]  }
0x107: {  	v61 =	vld [tilespmem:s26+$0xFFFFF870]  }
0x108: {  	v62 =	vld [tilespmem:s26+$0x70]  }
0x109: {  	v7 =	vld.idx.msk [tilespmem:v7+s7+$0x0], $0xffff  }
0x10a: {  	v32 =	vld.idx.msk [tilespmem:v32+s7+$0x0], $0xffff  }
0x10b: {  	v33 =	vld.idx.msk [tilespmem:v33+s7+$0x0], $0xffff  }
0x10c: {  	v34 =	vld.idx.msk [tilespmem:v34+s7+$0x0], $0xffff  }
0x10d: {  	v35 =	vld.idx.msk [tilespmem:v35+s7+$0x0], $0xffff  }
0x10e: {  	v36 =	vld.idx.msk [tilespmem:v36+s7+$0x0], $0xffff  }
0x10f: {  	v37 =	vld.idx.msk [tilespmem:v37+s7+$0x0], $0xffff  }
0x110: {  	v38 =	vld.idx.msk [tilespmem:v38+s7+$0x0], $0xffff  }
0x111: {  	v39 =	vld.idx.msk [tilespmem:v39+s7+$0x0], $0xffff  }
0x112: {  	v40 =	vld.idx.msk [tilespmem:v40+s7+$0x0], $0xffff  }
0x113: {  	v41 =	vld.idx.msk [tilespmem:v41+s7+$0x0], $0xffff  }
0x114: {  	v42 =	vld.idx.msk [tilespmem:v42+s7+$0x0], $0xffff  }
0x115: {  	v43 =	vld.idx.msk [tilespmem:v43+s7+$0x0], $0xffff  }
0x116: {  	v44 =	vld.idx.msk [tilespmem:v44+s7+$0x0], $0xffff  }
0x117: {  	v45 =	vld.idx.msk [tilespmem:v45+s7+$0x0], $0xffff  }
0x118: {  	v46 =	vld.idx.msk [tilespmem:v46+s7+$0x0], $0xffff  }
0x119: {  	v47 =	vld.idx.msk [tilespmem:v47+s7+$0x0], $0xffff  }
0x11a: {  	v48 =	vld.idx.msk [tilespmem:v48+s7+$0x0], $0xffff  }
0x11b: {  	v49 =	vld.idx.msk [tilespmem:v49+s7+$0x0], $0xffff  }
0x11c: {  	v50 =	vld.idx.msk [tilespmem:v50+s7+$0x0], $0xffff  }
0x11d: {  	v51 =	vld.idx.msk [tilespmem:v51+s7+$0x0], $0xffff  }
0x11e: {  	v52 =	vld.idx.msk [tilespmem:v52+s7+$0x0], $0xffff  }
0x11f: {  	v53 =	vld.idx.msk [tilespmem:v53+s7+$0x0], $0xffff  }
0x120: {  	v54 =	vld.idx.msk [tilespmem:v54+s7+$0x0], $0xffff  }
0x121: {  	v55 =	vld.idx.msk [tilespmem:v55+s7+$0x0], $0xffff  }
0x122: {  	v56 =	vld.idx.msk [tilespmem:v56+s7+$0x0], $0xffff  }
0x123: {  	v57 =	vld.idx.msk [tilespmem:v57+s7+$0x0], $0xffff  }
0x124: {  	v13 =	vmul.f32 v13, v20;
	v20 =	vld.idx.msk [tilespmem:v58+s7+$0x0], $0xffff  }
0x125: {  	v14 =	vmul.f32 v14, v21;
	v24 =	vmul.f32 v24, v19;
	v19 =	vld.idx.msk [tilespmem:v59+s7+$0x0], $0xffff  }
0x126: {  	v5 =	vadd.f32 v28, v5;
	v10 =	vmul.f32 v23, v10;
	v23 =	vmul.f32 v25, v6;
	v21 =	vld.idx.msk [tilespmem:v60+s7+$0x0], $0xffff  }
0x127: {  	v25 =	vadd.f32 v27, v4;
	v63 =	vld.idx.msk [tilespmem:v61+s7+$0x0], $0xffff;
	v27 =	vmul.f32 v32, v7;
	v28 =	vmul.f32 v34, v33  }
0x128: {  	v59 =	vld [tilespmem:s29+$0xFFFFFFA0];
	v33 =	vadd.f32 v18, v26;
	v26 =	vmul.f32 v36, v35;
	v34 =	vmul.f32 v38, v37  }
0x129: {  	v61 =	vld [tilespmem:s29+$0xFFFFFFB0];
	v35 =	vadd.f32 v17, v9;
	v9 =	vmul.f32 v40, v39;
	v36 =	vmul.f32 v42, v41  }
0x12a: {  	v4 =	vadd.f32 v16, v5;
	v18 =	vld.idx.msk [tilespmem:v62+s7+$0x0], $0xffff;
	v7 =	vmul.f32 v44, v43;
	v6 =	vmul.f32 v46, v45  }
0x12b: {  	v5 =	vadd.f32 v15, v25;
	v37 =	vld [tilespmem:s29+$0x40];
	v25 =	vmul.f32 v48, v47;
	v49 =	vmul.f32 v50, v49  }
0x12c: {  	v3 =	vadd.f32 v22, v3;
	v50 =	vld [tilespmem:s29+$0xFFFFFF80];
	v22 =	vmul.f32 v52, v51;
	v54 =	vmul.f32 v54, v53  }
0x12d: {  	v1 =	vadd.f32 v14, v1;
	v52 =	vld [tilespmem:s29+$0xFFFFFF90];
	v60 =	vmul.f32 v56, v55;
	v20 =	vmul.f32 v20, v57  }
0x12e: {  	v58 =	vadd.f32 v13, v2;
	v38 =	vld [tilespmem:s29+$0x50];
	v21 =	vmul.f32 v21, v19;
	v17 =	vmul.f32 v29, v28  }
0x12f: {  	v2 =	vadd.f32 v11, v3;
	v16 =	vmul.f32 v30, v26;
	v19 =	vmul.f32 v18, v63;
	v63 =	vld [tilespmem:s29+$0xFFFFFFC0]  }
0x130: {  	v13 =	vld [tilespmem:s29+$0xFFFFFFD0];
	v3 =	vadd.f32 v8, v58;
	v15 =	vmul.f32 v31, v34;
	v26 =	vmul.f32 v61, v54  }
0x131: {  	v14 =	vld [tilespmem:s29+$0xFFFFFFE0];
	v62 =	vadd.f32 v24, v0;
	v18 =	vmul.f32 v12, v27;
	v11 =	vmul.f32 v37, v9  }
0x132: {  	v0 =	vadd.f32 v10, v1;
	v24 =	vld [tilespmem:s29+$0xFFFFFFF0];
	v9 =	vmul.f32 v50, v25;
	v10 =	vmul.f32 v52, v49  }
0x133: {  	v1 =	vadd.f32 v23, v62;
	v23 =	vld [tilespmem:s29+$0x60];
	v8 =	vmul.f32 v38, v36;
	v27 =	vmul.f32 v59, v22  }
0x134: {  	s28 =	simm.s32 $0x0;
	v25 =	vld [tilespmem:s29+$0x70];
	s29 =	simm.s32 $0x4980;
	v9 =	vadd.f32 v9, v33;
	v10 =	vadd.f32 v10, v35;
	v22 =	vmul.f32 v63, v60  }
.LBB2_5:
0x135: {  	v12 =	vld [tilespmem:s29+$0x0];
	v4 =	vadd.f32 v27, v4;
	v5 =	vadd.f32 v26, v5;
	v20 =	vmul.f32 v13, v20  }
0x136: {  	v13 =	vld [tilespmem:s29+$0x10];
	v21 =	vmul.f32 v14, v21;
	v9 =	vadd.f32 v18, v9;
	v10 =	vadd.f32 v17, v10  }
0x137: {  	v14 =	vld [tilespmem:s29+$0x20];
	v17 =	vmul.f32 v24, v19;
	v4 =	vadd.f32 v16, v4;
	v5 =	vadd.f32 v15, v5  }
0x138: {  	s26 =	sadd.s32 $0x100, s26;
	v2 =	vadd.f32 v22, v2;
	v3 =	vadd.f32 v20, v3;
	v15 =	vld [tilespmem:s29+$0x30];
	v7 =	vmul.f32 v23, v7  }
0x139: {  	v0 =	vadd.f32 v21, v0;
	v16 =	vld [tilespmem:s26+$0xFFFFF880];
	v1 =	vadd.f32 v17, v1;
	v6 =	vmul.f32 v25, v6  }
0x13a: {  	v2 =	vadd.f32 v11, v2;
	v3 =	vadd.f32 v8, v3;
	v17 =	vld [tilespmem:s26+$0x80]  }
0x13b: {  	v0 =	vadd.f32 v7, v0;
	v8 =	vld [tilespmem:s26+$0xFFFFF890];
	v1 =	vadd.f32 v6, v1  }
0x13c: {  	v6 =	vld [tilespmem:s26+$0x90]  }
0x13d: {  	v7 =	vld [tilespmem:s26+$0xFFFFF8A0]  }
0x13e: {  	v11 =	vld [tilespmem:s26+$0xA0]  }
0x13f: {  	v18 =	vld [tilespmem:s26+$0xFFFFF8B0]  }
0x140: {  	v19 =	vld [tilespmem:s26+$0xB0]  }
0x141: {  	v20 =	vld [tilespmem:s26+$0xFFFFF8C0]  }
0x142: {  	v21 =	vld [tilespmem:s26+$0xC0]  }
0x143: {  	v22 =	vld [tilespmem:s26+$0xFFFFF8D0]  }
0x144: {  	v23 =	vld [tilespmem:s26+$0xD0]  }
0x145: {  	v24 =	vld [tilespmem:s26+$0xFFFFF8E0]  }
0x146: {  	v25 =	vld [tilespmem:s26+$0xE0]  }
0x147: {  	v26 =	vld [tilespmem:s26+$0xFFFFF8F0]  }
0x148: {  	v27 =	vld [tilespmem:s26+$0xF0]  }
0x149: {  	v28 =	vld [tilespmem:s26+$0xFFFFF800]  }
0x14a: {  	v29 =	vld [tilespmem:s26+$0x0]  }
0x14b: {  	v30 =	vld [tilespmem:s26+$0xFFFFF810]  }
0x14c: {  	v31 =	vld [tilespmem:s26+$0x10]  }
0x14d: {  	v32 =	vld [tilespmem:s26+$0xFFFFF820]  }
0x14e: {  	v33 =	vld [tilespmem:s26+$0x20]  }
0x14f: {  	v34 =	vld [tilespmem:s26+$0xFFFFF830]  }
0x150: {  	v35 =	vld [tilespmem:s26+$0x30]  }
0x151: {  	v36 =	vld [tilespmem:s26+$0xFFFFF840]  }
0x152: {  	v37 =	vld [tilespmem:s26+$0x40]  }
0x153: {  	v38 =	vld [tilespmem:s26+$0xFFFFF850]  }
0x154: {  	v39 =	vld [tilespmem:s26+$0x50]  }
0x155: {  	v40 =	vld [tilespmem:s26+$0xFFFFF860]  }
0x156: {  	v41 =	vld [tilespmem:s26+$0x60]  }
0x157: {  	v42 =	vld [tilespmem:s26+$0xFFFFF870]  }
0x158: {  	v43 =	vld [tilespmem:s26+$0x70]  }
0x159: {  	v16 =	vld.idx.msk [tilespmem:v16+s7+$0x0], $0xffff  }
0x15a: {  	v17 =	vld.idx.msk [tilespmem:v17+s7+$0x0], $0xffff  }
0x15b: {  	v8 =	vld.idx.msk [tilespmem:v8+s7+$0x0], $0xffff  }
0x15c: {  	v6 =	vld.idx.msk [tilespmem:v6+s7+$0x0], $0xffff  }
0x15d: {  	v7 =	vld.idx.msk [tilespmem:v7+s7+$0x0], $0xffff  }
0x15e: {  	v11 =	vld.idx.msk [tilespmem:v11+s7+$0x0], $0xffff  }
0x15f: {  	v18 =	vld.idx.msk [tilespmem:v18+s7+$0x0], $0xffff  }
0x160: {  	v19 =	vld.idx.msk [tilespmem:v19+s7+$0x0], $0xffff  }
0x161: {  	v20 =	vld.idx.msk [tilespmem:v20+s7+$0x0], $0xffff  }
0x162: {  	v21 =	vld.idx.msk [tilespmem:v21+s7+$0x0], $0xffff  }
0x163: {  	v22 =	vld.idx.msk [tilespmem:v22+s7+$0x0], $0xffff  }
0x164: {  	v23 =	vld.idx.msk [tilespmem:v23+s7+$0x0], $0xffff  }
0x165: {  	v24 =	vld.idx.msk [tilespmem:v24+s7+$0x0], $0xffff  }
0x166: {  	v25 =	vld.idx.msk [tilespmem:v25+s7+$0x0], $0xffff  }
0x167: {  	v26 =	vld.idx.msk [tilespmem:v26+s7+$0x0], $0xffff  }
0x168: {  	v27 =	vld.idx.msk [tilespmem:v27+s7+$0x0], $0xffff  }
0x169: {  	v28 =	vld.idx.msk [tilespmem:v28+s7+$0x0], $0xffff  }
0x16a: {  	v29 =	vld.idx.msk [tilespmem:v29+s7+$0x0], $0xffff  }
0x16b: {  	v30 =	vld.idx.msk [tilespmem:v30+s7+$0x0], $0xffff  }
0x16c: {  	v31 =	vld.idx.msk [tilespmem:v31+s7+$0x0], $0xffff  }
0x16d: {  	v32 =	vld.idx.msk [tilespmem:v32+s7+$0x0], $0xffff  }
0x16e: {  	v33 =	vld.idx.msk [tilespmem:v33+s7+$0x0], $0xffff  }
0x16f: {  	v34 =	vld.idx.msk [tilespmem:v34+s7+$0x0], $0xffff  }
0x170: {  	v35 =	vld.idx.msk [tilespmem:v35+s7+$0x0], $0xffff  }
0x171: {  	v36 =	vld.idx.msk [tilespmem:v36+s7+$0x0], $0xffff  }
0x172: {  	v37 =	vld.idx.msk [tilespmem:v37+s7+$0x0], $0xffff  }
0x173: {  	v38 =	vld.idx.msk [tilespmem:v38+s7+$0x0], $0xffff  }
0x174: {  	v39 =	vld.idx.msk [tilespmem:v39+s7+$0x0], $0xffff  }
0x175: {  	v40 =	vld.idx.msk [tilespmem:v40+s7+$0x0], $0xffff  }
0x176: {  	v41 =	vld.idx.msk [tilespmem:v41+s7+$0x0], $0xffff  }
0x177: {  	s28 =	sadd.s32 $0x2, s28;
	v16 =	vmul.f32 v17, v16;
	v8 =	vmul.f32 v6, v8;
	v42 =	vld.idx.msk [tilespmem:v42+s7+$0x0], $0xffff  }
0x178: {  	p0 =	slt.u32 s28, $0xE;
	v11 =	vmul.f32 v11, v7;
	v17 =	vld.idx.msk [tilespmem:v43+s7+$0x0], $0xffff;
	v43 =	vmul.f32 v19, v18  }
0x179: {  	v45 =	vmul.f32 v21, v20;
	v22 =	vmul.f32 v23, v22;
	v44 =	vld [tilespmem:s29+$0x40]  }
0x17a: {  	v7 =	vmul.f32 v25, v24;
	v6 =	vmul.f32 v27, v26;
	v23 =	vld [tilespmem:s29+$0x50]  }
0x17b: {  	v25 =	vmul.f32 v29, v28;
	v26 =	vmul.f32 v31, v30;
	v24 =	vld [tilespmem:s29+$0xFFFFFF80]  }
0x17c: {  	v28 =	vmul.f32 v33, v32;
	v29 =	vmul.f32 v35, v34;
	v27 =	vld [tilespmem:s29+$0xFFFFFF90]  }
0x17d: {  	v31 =	vmul.f32 v37, v36;
	v20 =	vmul.f32 v39, v38;
	v30 =	vld [tilespmem:s29+$0xFFFFFFA0]  }
0x17e: {  	v21 =	vmul.f32 v41, v40;
	v19 =	vmul.f32 v17, v42;
	v32 =	vld [tilespmem:s29+$0xFFFFFFB0]  }
0x17f: {  	v18 =	vmul.f32 v12, v16;
	v17 =	vmul.f32 v13, v8;
	v33 =	vld [tilespmem:s29+$0xFFFFFFC0]  }
.Ltmp1:
0x180: {  	v16 =	vmul.f32 v14, v11;
	v15 =	vmul.f32 v15, v43;
	v13 =	vld [tilespmem:s29+$0xFFFFFFD0];
	(pc) =	sbr.rel @p0 .LBB2_5-.Ltmp1, $4  }
0x181: {  	v11 =	vmul.f32 v44, v45;
	v8 =	vmul.f32 v23, v22;
	v14 =	vld [tilespmem:s29+$0xFFFFFFE0]  }
0x182: {  	v12 =	vmul.f32 v24, v25;
	v22 =	vmul.f32 v27, v26;
	v24 =	vld [tilespmem:s29+$0xFFFFFFF0]  }
0x183: {  	v27 =	vmul.f32 v30, v28;
	v26 =	vmul.f32 v32, v29;
	v23 =	vld [tilespmem:s29+$0x60]  }
0x184: {  	v9 =	vadd.f32 v12, v9;
	v10 =	vadd.f32 v22, v10;
	v22 =	vmul.f32 v33, v31;
	v25 =	vld [tilespmem:s29+$0x70];
	s29 =	sadd.s32 $0x100, s29  }
0x185: {  	s26 =	sadd.s32 $0x4, s25  }
0x186: {  	p0 =	sge.u32 s26, s8  }
0x187: {  	s26 =	sadd.s32 @!p0 s6, s26  }
0x188: {  	s26 =	sshll.u32 @!p0 s26, $0x8  }
0x189: {  	s26 =	sand.u32 @!p0 $0x1FFFFF00, s26  }
0x18a: {  	s29 =	simm.s32 @!p0 $0x0;
	s30 =	simm.s32 @!p0 $0x2000;
	s28 =	sadd.s32 @!p0 s2, s26  }
0x18b: {  	[tilespmem:s30], [sflag:$0x2] =	stream.linear.gather @!p0 [hbm4b:s28+s29], $0x800, $0x38;
	[tilespmem:$0x5880] =	vst v63  }
0x18c: {  	s28 =	sadd.s32 @!p0 s3, s26;
	s30 =	simm.s32 @!p0 $0x2800  }
0x18d: {  	[tilespmem:s30], [sflag:$0x2] =	stream.linear.gather @!p0 [hbm4b:s28+s29], $0x800, $0x38;
	[tilespmem:$0x5880] =	vst v63  }
0x18e: {  	s26 =	sadd.s32 @!p0 s5, s26;
	s28 =	simm.s32 @!p0 $0x4800  }
0x18f: {  	[tilespmem:s28], [sflag:$0x2] =	stream.linear.gather @!p0 [hbm4b:s26+s29], $0x800, $0x38;
	[tilespmem:$0x5880] =	vst v63  }
0x190: {  	_ =	swait.ge [sflag:s1], $0x800  }
0x191: {  	[sflag:s1] =	ssyncset.done $0x0  }
0x192: {  	[sflag:s1] =	ssyncadd.s32 $0xFFFFF800  }
0x193: {  	_ =	swait.ge [sflag:s1], $0x800  }
0x194: {  	[sflag:s1] =	ssyncset.done $0x0  }
0x195: {  	[sflag:s1] =	ssyncadd.s32 $0xFFFFF800  }
0x196: {  	_ =	swait.ge [sflag:s1], $0x800  }
0x197: {  	[sflag:s1] =	ssyncset.done $0x0  }
0x198: {  	s29 =	simm.s32 $0x5080;
	[sflag:s1] =	ssyncadd.s32 $0xFFFFF800  }
0x199: {  	v28 =	vld [tilespmem:s29+$0x0]  }
0x19a: {  	v29 =	vld [tilespmem:s29+$0x10]  }
0x19b: {  	v30 =	vld [tilespmem:s29+$0x20]  }
0x19c: {  	s26 =	simm.s32 $0x3800;
	v31 =	vld [tilespmem:s29+$0x30]  }
0x19d: {  	v12 =	vld [tilespmem:s26+$0xFFFFF880]  }
0x19e: {  	v32 =	vld [tilespmem:s26+$0x80]  }
0x19f: {  	v33 =	vld [tilespmem:s26+$0xFFFFF890]  }
0x1a0: {  	v34 =	vld [tilespmem:s26+$0x90]  }
0x1a1: {  	v35 =	vld [tilespmem:s26+$0xFFFFF8A0]  }
0x1a2: {  	v36 =	vld [tilespmem:s26+$0xA0]  }
0x1a3: {  	v37 =	vld [tilespmem:s26+$0xFFFFF8B0]  }
0x1a4: {  	v38 =	vld [tilespmem:s26+$0xB0]  }
0x1a5: {  	v39 =	vld [tilespmem:s26+$0xFFFFF8C0]  }
0x1a6: {  	v40 =	vld [tilespmem:s26+$0xC0]  }
0x1a7: {  	v41 =	vld [tilespmem:s26+$0xFFFFF8D0]  }
0x1a8: {  	v42 =	vld [tilespmem:s26+$0xD0]  }
0x1a9: {  	v43 =	vld [tilespmem:s26+$0xFFFFF8E0]  }
0x1aa: {  	v44 =	vld [tilespmem:s26+$0xE0]  }
0x1ab: {  	v45 =	vld [tilespmem:s26+$0xFFFFF8F0]  }
0x1ac: {  	v46 =	vld [tilespmem:s26+$0xF0]  }
0x1ad: {  	v47 =	vld [tilespmem:s26+$0xFFFFF800]  }
0x1ae: {  	v48 =	vld [tilespmem:s26+$0x0]  }
0x1af: {  	v49 =	vld [tilespmem:s26+$0xFFFFF810]  }
0x1b0: {  	v50 =	vld [tilespmem:s26+$0x10]  }
0x1b1: {  	v51 =	vld [tilespmem:s26+$0xFFFFF820]  }
0x1b2: {  	v52 =	vld [tilespmem:s26+$0x20]  }
0x1b3: {  	v53 =	vld [tilespmem:s26+$0xFFFFF830]  }
0x1b4: {  	v54 =	vld [tilespmem:s26+$0x30]  }
0x1b5: {  	v55 =	vld [tilespmem:s26+$0xFFFFF840]  }
0x1b6: {  	v56 =	vld [tilespmem:s26+$0x40]  }
0x1b7: {  	v57 =	vld [tilespmem:s26+$0xFFFFF850]  }
0x1b8: {  	v58 =	vld [tilespmem:s26+$0x50]  }
0x1b9: {  	v59 =	vld [tilespmem:s26+$0xFFFFF860]  }
0x1ba: {  	v60 =	vld [tilespmem:s26+$0x60]  }
0x1bb: {  	v61 =	vld [tilespmem:s26+$0xFFFFF870]  }
0x1bc: {  	v62 =	vld [tilespmem:s26+$0x70]  }
0x1bd: {  	v63 =	vld [tilespmem:s29+$0xFFFFFFC0]  }
0x1be: {  	v12 =	vld.idx.msk [tilespmem:v12+s7+$0x0], $0xffff  }
0x1bf: {  	v32 =	vld.idx.msk [tilespmem:v32+s7+$0x0], $0xffff  }
0x1c0: {  	v33 =	vld.idx.msk [tilespmem:v33+s7+$0x0], $0xffff  }
0x1c1: {  	v34 =	vld.idx.msk [tilespmem:v34+s7+$0x0], $0xffff  }
0x1c2: {  	v35 =	vld.idx.msk [tilespmem:v35+s7+$0x0], $0xffff  }
0x1c3: {  	v36 =	vld.idx.msk [tilespmem:v36+s7+$0x0], $0xffff  }
0x1c4: {  	v37 =	vld.idx.msk [tilespmem:v37+s7+$0x0], $0xffff  }
0x1c5: {  	v38 =	vld.idx.msk [tilespmem:v38+s7+$0x0], $0xffff  }
0x1c6: {  	v39 =	vld.idx.msk [tilespmem:v39+s7+$0x0], $0xffff  }
0x1c7: {  	v40 =	vld.idx.msk [tilespmem:v40+s7+$0x0], $0xffff  }
0x1c8: {  	v41 =	vld.idx.msk [tilespmem:v41+s7+$0x0], $0xffff  }
0x1c9: {  	v42 =	vld.idx.msk [tilespmem:v42+s7+$0x0], $0xffff  }
0x1ca: {  	v43 =	vld.idx.msk [tilespmem:v43+s7+$0x0], $0xffff  }
0x1cb: {  	v44 =	vld.idx.msk [tilespmem:v44+s7+$0x0], $0xffff  }
0x1cc: {  	v45 =	vld.idx.msk [tilespmem:v45+s7+$0x0], $0xffff  }
0x1cd: {  	v46 =	vld.idx.msk [tilespmem:v46+s7+$0x0], $0xffff  }
0x1ce: {  	v47 =	vld.idx.msk [tilespmem:v47+s7+$0x0], $0xffff  }
0x1cf: {  	v48 =	vld.idx.msk [tilespmem:v48+s7+$0x0], $0xffff  }
0x1d0: {  	v49 =	vld.idx.msk [tilespmem:v49+s7+$0x0], $0xffff  }
0x1d1: {  	v50 =	vld.idx.msk [tilespmem:v50+s7+$0x0], $0xffff  }
0x1d2: {  	v51 =	vld.idx.msk [tilespmem:v51+s7+$0x0], $0xffff  }
0x1d3: {  	v52 =	vld.idx.msk [tilespmem:v52+s7+$0x0], $0xffff  }
0x1d4: {  	v53 =	vld.idx.msk [tilespmem:v53+s7+$0x0], $0xffff  }
0x1d5: {  	v54 =	vld.idx.msk [tilespmem:v54+s7+$0x0], $0xffff  }
0x1d6: {  	v55 =	vld.idx.msk [tilespmem:v55+s7+$0x0], $0xffff  }
0x1d7: {  	v56 =	vld.idx.msk [tilespmem:v56+s7+$0x0], $0xffff  }
0x1d8: {  	v20 =	vmul.f32 v13, v20;
	v57 =	vld.idx.msk [tilespmem:v57+s7+$0x0], $0xffff  }
0x1d9: {  	v14 =	vmul.f32 v14, v21;
	v19 =	vmul.f32 v24, v19;
	v58 =	vld.idx.msk [tilespmem:v58+s7+$0x0], $0xffff  }
0x1da: {  	v4 =	vadd.f32 v27, v4;
	v7 =	vmul.f32 v23, v7;
	v6 =	vmul.f32 v25, v6;
	v21 =	vld.idx.msk [tilespmem:v59+s7+$0x0], $0xffff  }
0x1db: {  	v5 =	vadd.f32 v26, v5;
	v23 =	vld.idx.msk [tilespmem:v60+s7+$0x0], $0xffff;
	v24 =	vmul.f32 v32, v12;
	v25 =	vmul.f32 v34, v33  }
0x1dc: {  	v2 =	vadd.f32 v22, v2;
	v26 =	vld.idx.msk [tilespmem:v61+s7+$0x0], $0xffff;
	v27 =	vmul.f32 v36, v35;
	v33 =	vmul.f32 v38, v37  }
0x1dd: {  	v4 =	vadd.f32 v16, v4;
	v59 =	vld [tilespmem:s29+$0xFFFFFFA0];
	v35 =	vmul.f32 v40, v39;
	v36 =	vmul.f32 v42, v41  }
0x1de: {  	v32 =	vadd.f32 v18, v9;
	v9 =	vld.idx.msk [tilespmem:v62+s7+$0x0], $0xffff;
	v13 =	vmul.f32 v44, v43;
	v12 =	vmul.f32 v46, v45  }
0x1df: {  	v5 =	vadd.f32 v15, v5;
	v37 =	vld [tilespmem:s29+$0x40];
	v39 =	vmul.f32 v48, v47;
	v40 =	vmul.f32 v50, v49  }
0x1e0: {  	v3 =	vadd.f32 v20, v3;
	v41 =	vld [tilespmem:s29+$0xFFFFFF80];
	v22 =	vmul.f32 v52, v51;
	v54 =	vmul.f32 v54, v53  }
0x1e1: {  	v34 =	vadd.f32 v17, v10;
	v52 =	vld [tilespmem:s29+$0xFFFFFF90];
	v60 =	vmul.f32 v56, v55;
	v17 =	vmul.f32 v58, v57  }
0x1e2: {  	v61 =	vadd.f32 v14, v0;
	v62 =	vld [tilespmem:s29+$0xFFFFFFB0];
	v18 =	vmul.f32 v23, v21;
	v20 =	vmul.f32 v28, v24  }
0x1e3: {  	v38 =	vld [tilespmem:s29+$0x50];
	v23 =	vadd.f32 v19, v1;
	v21 =	vmul.f32 v29, v25;
	v19 =	vmul.f32 v30, v27  }
0x1e4: {  	v0 =	vadd.f32 v11, v2;
	v11 =	vmul.f32 v31, v33;
	v16 =	vmul.f32 v9, v26;
	v9 =	vld [tilespmem:s29+$0xFFFFFFD0]  }
0x1e5: {  	v2 =	vadd.f32 v8, v3;
	v10 =	vld [tilespmem:s29+$0xFFFFFFE0];
	v25 =	vmul.f32 v63, v60;
	v14 =	vmul.f32 v37, v35  }
0x1e6: {  	v1 =	vadd.f32 v7, v61;
	v24 =	vld [tilespmem:s29+$0xFFFFFFF0];
	v7 =	vmul.f32 v41, v39;
	v8 =	vmul.f32 v52, v40  }
0x1e7: {  	v3 =	vadd.f32 v6, v23;
	v26 =	vmul.f32 v59, v22;
	v27 =	vmul.f32 v62, v54;
	v22 =	vld [tilespmem:s29+$0x60]  }
0x1e8: {  	s28 =	simm.s32 $0x0;
	v23 =	vld [tilespmem:s29+$0x70];
	v15 =	vmul.f32 v38, v36;
	s29 =	simm.s32 $0x5180;
	v6 =	vadd.f32 v7, v32;
	v7 =	vadd.f32 v8, v34  }
.LBB2_7:
0x1e9: {  	v8 =	vld [tilespmem:s29+$0x0];
	v4 =	vadd.f32 v26, v4;
	v5 =	vadd.f32 v27, v5;
	v17 =	vmul.f32 v9, v17  }
0x1ea: {  	v9 =	vld [tilespmem:s29+$0x10];
	v18 =	vmul.f32 v10, v18;
	v6 =	vadd.f32 v20, v6;
	v7 =	vadd.f32 v21, v7  }
0x1eb: {  	v10 =	vld [tilespmem:s29+$0x20];
	v16 =	vmul.f32 v24, v16;
	v4 =	vadd.f32 v19, v4;
	v5 =	vadd.f32 v11, v5  }
0x1ec: {  	s26 =	sadd.s32 $0x100, s26;
	v0 =	vadd.f32 v25, v0;
	v2 =	vadd.f32 v17, v2;
	v11 =	vld [tilespmem:s29+$0x30];
	v13 =	vmul.f32 v22, v13  }
0x1ed: {  	v1 =	vadd.f32 v18, v1;
	v17 =	vld [tilespmem:s26+$0xFFFFF880];
	v3 =	vadd.f32 v16, v3;
	v12 =	vmul.f32 v23, v12  }
0x1ee: {  	v0 =	vadd.f32 v14, v0;
	v2 =	vadd.f32 v15, v2;
	v16 =	vld [tilespmem:s26+$0x80]  }
0x1ef: {  	v1 =	vadd.f32 v13, v1;
	v14 =	vld [tilespmem:s26+$0xFFFFF890];
	v3 =	vadd.f32 v12, v3  }
0x1f0: {  	v12 =	vld [tilespmem:s26+$0x90]  }
0x1f1: {  	v13 =	vld [tilespmem:s26+$0xFFFFF8A0]  }
0x1f2: {  	v15 =	vld [tilespmem:s26+$0xA0]  }
0x1f3: {  	v18 =	vld [tilespmem:s26+$0xFFFFF8B0]  }
0x1f4: {  	v19 =	vld [tilespmem:s26+$0xB0]  }
0x1f5: {  	v20 =	vld [tilespmem:s26+$0xFFFFF8C0]  }
0x1f6: {  	v21 =	vld [tilespmem:s26+$0xC0]  }
0x1f7: {  	v22 =	vld [tilespmem:s26+$0xFFFFF8D0]  }
0x1f8: {  	v23 =	vld [tilespmem:s26+$0xD0]  }
0x1f9: {  	v24 =	vld [tilespmem:s26+$0xFFFFF8E0]  }
0x1fa: {  	v25 =	vld [tilespmem:s26+$0xE0]  }
0x1fb: {  	v26 =	vld [tilespmem:s26+$0xFFFFF8F0]  }
0x1fc: {  	v27 =	vld [tilespmem:s26+$0xF0]  }
0x1fd: {  	v28 =	vld [tilespmem:s26+$0xFFFFF800]  }
0x1fe: {  	v29 =	vld [tilespmem:s26+$0x0]  }
0x1ff: {  	v30 =	vld [tilespmem:s26+$0xFFFFF810]  }
0x200: {  	v31 =	vld [tilespmem:s26+$0x10]  }
0x201: {  	v32 =	vld [tilespmem:s26+$0xFFFFF820]  }
0x202: {  	v33 =	vld [tilespmem:s26+$0x20]  }
0x203: {  	v34 =	vld [tilespmem:s26+$0xFFFFF830]  }
0x204: {  	v35 =	vld [tilespmem:s26+$0x30]  }
0x205: {  	v36 =	vld [tilespmem:s26+$0xFFFFF840]  }
0x206: {  	v37 =	vld [tilespmem:s26+$0x40]  }
0x207: {  	v38 =	vld [tilespmem:s26+$0xFFFFF850]  }
0x208: {  	v39 =	vld [tilespmem:s26+$0x50]  }
0x209: {  	v40 =	vld [tilespmem:s26+$0xFFFFF860]  }
0x20a: {  	v41 =	vld [tilespmem:s26+$0x60]  }
0x20b: {  	v42 =	vld [tilespmem:s26+$0xFFFFF870]  }
0x20c: {  	v43 =	vld [tilespmem:s26+$0x70]  }
0x20d: {  	v17 =	vld.idx.msk [tilespmem:v17+s7+$0x0], $0xffff  }
0x20e: {  	v16 =	vld.idx.msk [tilespmem:v16+s7+$0x0], $0xffff  }
0x20f: {  	v14 =	vld.idx.msk [tilespmem:v14+s7+$0x0], $0xffff  }
0x210: {  	v12 =	vld.idx.msk [tilespmem:v12+s7+$0x0], $0xffff  }
0x211: {  	v13 =	vld.idx.msk [tilespmem:v13+s7+$0x0], $0xffff  }
0x212: {  	v15 =	vld.idx.msk [tilespmem:v15+s7+$0x0], $0xffff  }
0x213: {  	v18 =	vld.idx.msk [tilespmem:v18+s7+$0x0], $0xffff  }
0x214: {  	v19 =	vld.idx.msk [tilespmem:v19+s7+$0x0], $0xffff  }
0x215: {  	v20 =	vld.idx.msk [tilespmem:v20+s7+$0x0], $0xffff  }
0x216: {  	v21 =	vld.idx.msk [tilespmem:v21+s7+$0x0], $0xffff  }
0x217: {  	v22 =	vld.idx.msk [tilespmem:v22+s7+$0x0], $0xffff  }
0x218: {  	v23 =	vld.idx.msk [tilespmem:v23+s7+$0x0], $0xffff  }
0x219: {  	v24 =	vld.idx.msk [tilespmem:v24+s7+$0x0], $0xffff  }
0x21a: {  	v25 =	vld.idx.msk [tilespmem:v25+s7+$0x0], $0xffff  }
0x21b: {  	v26 =	vld.idx.msk [tilespmem:v26+s7+$0x0], $0xffff  }
0x21c: {  	v27 =	vld.idx.msk [tilespmem:v27+s7+$0x0], $0xffff  }
0x21d: {  	v28 =	vld.idx.msk [tilespmem:v28+s7+$0x0], $0xffff  }
0x21e: {  	v29 =	vld.idx.msk [tilespmem:v29+s7+$0x0], $0xffff  }
0x21f: {  	v30 =	vld.idx.msk [tilespmem:v30+s7+$0x0], $0xffff  }
0x220: {  	v31 =	vld.idx.msk [tilespmem:v31+s7+$0x0], $0xffff  }
0x221: {  	v32 =	vld.idx.msk [tilespmem:v32+s7+$0x0], $0xffff  }
0x222: {  	v33 =	vld.idx.msk [tilespmem:v33+s7+$0x0], $0xffff  }
0x223: {  	v34 =	vld.idx.msk [tilespmem:v34+s7+$0x0], $0xffff  }
0x224: {  	v35 =	vld.idx.msk [tilespmem:v35+s7+$0x0], $0xffff  }
0x225: {  	v36 =	vld.idx.msk [tilespmem:v36+s7+$0x0], $0xffff  }
0x226: {  	v37 =	vld.idx.msk [tilespmem:v37+s7+$0x0], $0xffff  }
0x227: {  	v38 =	vld.idx.msk [tilespmem:v38+s7+$0x0], $0xffff  }
0x228: {  	v39 =	vld.idx.msk [tilespmem:v39+s7+$0x0], $0xffff  }
0x229: {  	v40 =	vld.idx.msk [tilespmem:v40+s7+$0x0], $0xffff  }
0x22a: {  	v41 =	vld.idx.msk [tilespmem:v41+s7+$0x0], $0xffff  }
0x22b: {  	s28 =	sadd.s32 $0x2, s28;
	v44 =	vmul.f32 v16, v17;
	v14 =	vmul.f32 v12, v14;
	v42 =	vld.idx.msk [tilespmem:v42+s7+$0x0], $0xffff  }
0x22c: {  	p0 =	slt.u32 s28, $0xE;
	v15 =	vmul.f32 v15, v13;
	v16 =	vld.idx.msk [tilespmem:v43+s7+$0x0], $0xffff;
	v43 =	vmul.f32 v19, v18  }
0x22d: {  	v46 =	vmul.f32 v21, v20;
	v22 =	vmul.f32 v23, v22;
	v45 =	vld [tilespmem:s29+$0x40]  }
0x22e: {  	v13 =	vmul.f32 v25, v24;
	v12 =	vmul.f32 v27, v26;
	v23 =	vld [tilespmem:s29+$0x50]  }
0x22f: {  	v25 =	vmul.f32 v29, v28;
	v26 =	vmul.f32 v31, v30;
	v24 =	vld [tilespmem:s29+$0xFFFFFF80]  }
0x230: {  	v28 =	vmul.f32 v33, v32;
	v29 =	vmul.f32 v35, v34;
	v27 =	vld [tilespmem:s29+$0xFFFFFF90]  }
0x231: {  	v31 =	vmul.f32 v37, v36;
	v17 =	vmul.f32 v39, v38;
	v30 =	vld [tilespmem:s29+$0xFFFFFFA0]  }
0x232: {  	v18 =	vmul.f32 v41, v40;
	v16 =	vmul.f32 v16, v42;
	v32 =	vld [tilespmem:s29+$0xFFFFFFB0]  }
0x233: {  	v20 =	vmul.f32 v8, v44;
	v21 =	vmul.f32 v9, v14;
	v33 =	vld [tilespmem:s29+$0xFFFFFFC0]  }
.Ltmp2:
0x234: {  	v19 =	vmul.f32 v10, v15;
	v11 =	vmul.f32 v11, v43;
	v9 =	vld [tilespmem:s29+$0xFFFFFFD0];
	(pc) =	sbr.rel @p0 .LBB2_7-.Ltmp2, $4  }
0x235: {  	v14 =	vmul.f32 v45, v46;
	v15 =	vmul.f32 v23, v22;
	v10 =	vld [tilespmem:s29+$0xFFFFFFE0]  }
0x236: {  	v8 =	vmul.f32 v24, v25;
	v23 =	vmul.f32 v27, v26;
	v24 =	vld [tilespmem:s29+$0xFFFFFFF0]  }
0x237: {  	v26 =	vmul.f32 v30, v28;
	v27 =	vmul.f32 v32, v29;
	v22 =	vld [tilespmem:s29+$0x60]  }
0x238: {  	v6 =	vadd.f32 v8, v6;
	v7 =	vadd.f32 v23, v7;
	v25 =	vmul.f32 v33, v31;
	v23 =	vld [tilespmem:s29+$0x70];
	s29 =	sadd.s32 $0x100, s29  }
0x239: {  	s25 =	sadd.s32 $0x5, s25  }
0x23a: {  	p0 =	sge.u32 s25, s8  }
0x23b: {  	s25 =	sadd.s32 @!p0 s6, s25  }
0x23c: {  	s25 =	sshll.u32 @!p0 s25, $0x8  }
0x23d: {  	s25 =	sand.u32 @!p0 $0x1FFFFF00, s25  }
0x23e: {  	s28 =	simm.s32 @!p0 $0x0;
	s29 =	simm.s32 @!p0 $0x3000;
	s26 =	sadd.s32 @!p0 s2, s25  }
0x23f: {  	[tilespmem:s29], [sflag:$0x3] =	stream.linear.gather @!p0 [hbm4b:s26+s28], $0x800, $0x38;
	[tilespmem:$0x5880] =	vst v63  }
0x240: {  	s26 =	sadd.s32 @!p0 s3, s25;
	s29 =	simm.s32 @!p0 $0x3800  }
0x241: {  	[tilespmem:s29], [sflag:$0x3] =	stream.linear.gather @!p0 [hbm4b:s26+s28], $0x800, $0x38;
	[tilespmem:$0x5880] =	vst v63  }
0x242: {  	s24 =	sadd.s32 $0x1, s24;
	s25 =	sadd.s32 @!p0 s5, s25;
	s26 =	simm.s32 @!p0 $0x5000  }
0x243: {  	v4 =	vadd.f32 v26, v4;
	v8 =	vadd.f32 v27, v5;
	v17 =	vmul.f32 v9, v17;
	[tilespmem:s26], [sflag:$0x3] =	stream.linear.gather @!p0 [hbm4b:s25+s28], $0x800, $0x38;
	[tilespmem:$0x5880] =	vst v63  }
0x244: {  	v10 =	vmul.f32 v10, v18;
	v9 =	vadd.f32 v20, v6;
	v7 =	vadd.f32 v21, v7;
	p0 =	sne.s32 s24, s18  }
.Ltmp3:
0x245: {  	v0 =	vadd.f32 v25, v0;
	v6 =	vmul.f32 v24, v16;
	v5 =	vadd.f32 v19, v4;
	(pc) =	sbr.rel @p0 .LBB2_2-.Ltmp3, $4  }
0x246: {  	v4 =	vadd.f32 v11, v8;
	v2 =	vadd.f32 v17, v2;
	v8 =	vmul.f32 v22, v13  }
0x247: {  	v1 =	vadd.f32 v10, v1;
	v6 =	vadd.f32 v6, v3;
	v10 =	vmul.f32 v23, v12  }
0x248: {  	v3 =	vadd.f32 v14, v0;
	v2 =	vadd.f32 v15, v2  }
0x249: {  	v1 =	vadd.f32 v8, v1;
	v0 =	vadd.f32 v10, v6  }
0x24a: {  	[tilespmem:$0x5800] =	vst v9  }
0x24b: {  	[tilespmem:$0x5810] =	vst v7  }
0x24c: {  	[tilespmem:$0x5820] =	vst v5  }
0x24d: {  	[tilespmem:$0x5830] =	vst v4  }
0x24e: {  	[tilespmem:$0x5840] =	vst v3  }
0x24f: {  	[tilespmem:$0x5850] =	vst v2;
	s23 =	sadd.s32 $0x1, s23  }
0x250: {  	[tilespmem:$0x5860] =	vst v1;
	p0 =	sne.s32 s23, s20  }
.Ltmp4:
0x251: {  	[tilespmem:$0x5870] =	vst v0;
	(pc) =	sbr.rel @p0 .LBB2_1-.Ltmp4, $4  }
0x252: {  	[hbm4b:s19+s7] =	stream.linear.scatter [tilespmem:s22], [sflag:$0x4], $0x80, $0x38;
	[tilespmem:$0x5880] =	vst v63  }
0x253: {  	_ =	swait.ge [sflag:s21], $0x80  }
0x254: {  	[sflag:s21] =	ssyncset.done $0x0  }
0x255: {  	[sflag:s21] =	ssyncadd.s32 $0xFFFFFF80  }
0x256: {  	_ =	sfence.sel $0x180000  }
0x257: {  	[bflag:$0x0] =	sbarrier.arrive $0xFFFF  }
0x258: {  	_ =	strace $0x90000047  }
0x259: {  	s0 =	stileid.u32;
	[bflag:$0x2] =	sbarrier.arrive $0xFFFF  }
0x25a: {  	p0 =	sne.s32 s0, $0x0;
	s0 =	rddreg [dreg:$0x5]  }
0x25b: {  	s0 =	sadd.s32 @!p0 $0x100000, s0  }
0x25c: {  	[sflag:s0] =	ssyncadd.tile.s32 @!p0 $0x1;
	_ =	shalt  }
.Lfunc_end2:
_tile_overlayer_lowered:
.L_overlay_start_2:
0x25d: {  	(tag) =	ssettag $0x2  }
0x25e: {  	s0 =	rddreg [dreg:$0x0];
	s2 =	stileid.u32  }
0x25f: {  	s1 =	rddreg [dreg:$0x1];
	p0 =	sne.s32 s2, $0x0  }
0x260: {  	s3 =	rddreg [dreg:$0x2];
	[bflag:$0x3] =	sbarrier.arrive $0xFFFF;
	s2 =	simm.s32 @!p0 $0x1C04  }
0x261: {  	[timem:s3], [sflag:s2] =	dma.local @!p0 [hbm:s0], s1  }
0x262: {  	s0 =	simm.s32 @!p0 $0x4  }
0x263: {  	_ =	swait.ge @!p0 [sflag:s0], s1  }
0x264: {  	s1 =	ssub.s32 @!p0 $0x0, s1;
	[sflag:s0] =	ssyncset.done @!p0 $0x0  }
0x265: {  	[sflag:s0] =	ssyncadd.s32 @!p0 s1  }
0x266: {  	[bflag:$0x3] =	sbarrier.arrive $0xFFFF  }
0x267: {  	_ =	shalt  }

</sc_bundles>
